<compile_context>
chip_gen: v7x
topology: tpu7x:2x2x1
jax: 0.10.2.dev20260603
libtpu: 0.0.44.dev20260713+nightly
codegen_flags: <defaults>
</compile_context>

<pallas_src>
import functools

import jax
import jax.numpy as jnp
from jax import lax
from jax.experimental import pallas as pl
from jax.experimental.pallas import tpu as pltpu
from jax.experimental.pallas import tpu_sc as plsc

VOCAB = 1000
EMBD = 64
KCOL = EMBD // 2
L = 16
NC, NS = 2, 16
NW = NC * NS
W_TOTAL = 1024 * 200
WPW = W_TOTAL // NW
CHUNK = 400
NCHUNK = WPW // CHUNK
NPAIR = NCHUNK // 2


def _sc_char_embed(x_hbm, tab_hbm, out_hbm, tab_v,
                   idx_a, idx_b, out_a, out_b, sia, sib, soa, sob):
    wid = lax.axis_index("s") * NC + lax.axis_index("c")
    pltpu.sync_copy(tab_hbm, tab_v)

    iota = lax.iota(jnp.int32, L)
    ihi = iota + L
    splats = [jnp.full((L,), j, jnp.int32) for j in range(16)]
    base_w = wid * WPW

    def idx_slice(c):
        return x_hbm.at[pl.ds((base_w + c * CHUNK) * 16, CHUNK * 16)]

    def out_slice(c):
        return out_hbm.at[pl.ds((base_w + c * CHUNK) * EMBD, CHUNK * EMBD)]

    def compute(idx_v, out_v):
        @plsc.parallel_loop(0, CHUNK, unroll=1)
        def word_loop(w):
            cvec = idx_v[pl.ds(w * 16, L)] * KCOL
            acc0 = None
            acc1 = None
            for j in range(16):
                rowb = cvec.at[splats[j]].get(mode="promise_in_bounds")
                v0 = plsc.bitcast(
                    plsc.load_gather(tab_v, [rowb + iota]), jnp.bfloat16)
                v1 = plsc.bitcast(
                    plsc.load_gather(tab_v, [rowb + ihi]), jnp.bfloat16)
                acc0 = v0 if acc0 is None else acc0 + v0
                acc1 = v1 if acc1 is None else acc1 + v1
            a0, b0 = plsc.unpack(acc0, format=plsc.PackFormat.INTERLEAVED)
            a1, b1 = plsc.unpack(acc1, format=plsc.PackFormat.INTERLEAVED)
            ob = w * EMBD
            out_v[pl.ds(ob, L)] = a0
            out_v[pl.ds(ob + 16, L)] = a1
            out_v[pl.ds(ob + 32, L)] = b0
            out_v[pl.ds(ob + 48, L)] = b1

    pltpu.async_copy(idx_slice(0), idx_a, sia)

    def pair_body(t, carry):
        c_a = 2 * t
        c_b = 2 * t + 1
        pltpu.async_copy(idx_slice(c_b), idx_b, sib)
        pltpu.make_async_copy(idx_slice(c_a), idx_a, sia).wait()

        @pl.when(t > 0)
        def _wait_out_a():
            pltpu.make_async_copy(out_a, out_slice(c_a - 2), soa).wait()

        compute(idx_a, out_a)
        pltpu.async_copy(out_a, out_slice(c_a), soa)

        @pl.when(t < NPAIR - 1)
        def _prefetch_a():
            pltpu.async_copy(idx_slice(c_a + 2), idx_a, sia)

        pltpu.make_async_copy(idx_slice(c_b), idx_b, sib).wait()

        @pl.when(t > 0)
        def _wait_out_b():
            pltpu.make_async_copy(out_b, out_slice(c_b - 2), sob).wait()

        compute(idx_b, out_b)
        pltpu.async_copy(out_b, out_slice(c_b), sob)
        return carry

    lax.fori_loop(0, NPAIR, pair_body, 0)
    pltpu.make_async_copy(out_a, out_slice(NCHUNK - 2), soa).wait()
    pltpu.make_async_copy(out_b, out_slice(NCHUNK - 1), sob).wait()


@jax.jit
def _char_embed_sc(x_flat, tab_flat):
    mesh = plsc.VectorSubcoreMesh(core_axis_name="c", subcore_axis_name="s")
    run = pl.kernel(
        _sc_char_embed,
        out_type=jax.ShapeDtypeStruct((W_TOTAL * EMBD,), jnp.float32),
        mesh=mesh,
        scratch_types=[
            pltpu.VMEM((VOCAB * KCOL,), jnp.int32),
            pltpu.VMEM((CHUNK * 16,), jnp.int32),
            pltpu.VMEM((CHUNK * 16,), jnp.int32),
            pltpu.VMEM((CHUNK * EMBD,), jnp.float32),
            pltpu.VMEM((CHUNK * EMBD,), jnp.float32),
            pltpu.SemaphoreType.DMA,
            pltpu.SemaphoreType.DMA,
            pltpu.SemaphoreType.DMA,
            pltpu.SemaphoreType.DMA,
        ],
        compiler_params=pltpu.CompilerParams(needs_layout_passes=False),
    )
    return run(x_flat, tab_flat)


def _pack_table(emb):
    u16 = jax.lax.bitcast_convert_type(
        emb.astype(jnp.bfloat16), jnp.uint16
    ).astype(jnp.uint32)
    u32 = u16[:, :KCOL] | (u16[:, KCOL:] << 16)
    return jax.lax.bitcast_convert_type(u32.reshape(-1), jnp.int32)


def kernel(x, emb):
    bs, seq, word = x.shape
    out = _char_embed_sc(
        x.reshape(-1).astype(jnp.int32),
        _pack_table(emb),
    )
    return out.reshape(bs, seq, EMBD)

# --- scband reference (transcript-rebuilt; emitter-appended) ---
"""Pipeline reference for scband-char-embedding-6940667150715 (READ-ONLY COPY).

The authoritative reference and input builder live on the scoring server;
editing this copy changes nothing except your own understanding.
"""

import jax, jax.numpy as jnp
import numpy as np

VOCAB = 1000
EMBD = 64
BS, SEQ, WORD = 1024, 200, 16

def setup_inputs(seed: int = 0) -> dict:
    key = jax.random.key(seed)
    k1, k2 = jax.random.split(key)
    x = jax.random.randint(k1, (BS, SEQ, WORD), 0, VOCAB, dtype=jnp.int64 if jax.config.jax_enable_x64 else jnp.int32)
    emb = jax.random.normal(k2, (VOCAB, EMBD), dtype=jnp.float32)
    return {"x": x, "emb": emb}

def reference(x, emb):
    bs, seq_len, word_len = x.shape
    # x = x.view(-1, word_len); x = self.embedding(x)
    flat = x.reshape(-1, word_len)
    e = jnp.take(emb, flat, axis=0)
    # x = x.view(*input_shape, -1)
    e = e.reshape(bs, seq_len, word_len, emb.shape[1])
    # x = x.sum(2)
    return e.sum(axis=2)

if __name__ == "__main__":
    import jax
    _d = setup_inputs()
    print(jax.jit(kernel)(*tuple(_d.values())))

</pallas_src>

<mosaic_0001>
#map = affine_map<(d0, d1) -> (0)>
module attributes {stable_mosaic.version = 14 : i64} {
  func.func @_sc_char_embed(%arg0: i32, %arg1: i32, %arg2: memref<3276800xi32, #tpu.memory_space<hbm>>, %arg3: memref<32000xi32, #tpu.memory_space<hbm>>, %arg4: memref<13107200xf32, #tpu.memory_space<hbm>>, %arg5: memref<32000xi32, #tpu.memory_space<vmem>>, %arg6: memref<6400xi32, #tpu.memory_space<vmem>>, %arg7: memref<6400xi32, #tpu.memory_space<vmem>>, %arg8: memref<25600xf32, #tpu.memory_space<vmem>>, %arg9: memref<25600xf32, #tpu.memory_space<vmem>>, %arg10: memref<!tpu.dma_semaphore, #tpu.memory_space<semaphore_mem>>, %arg11: memref<!tpu.dma_semaphore, #tpu.memory_space<semaphore_mem>>, %arg12: memref<!tpu.dma_semaphore, #tpu.memory_space<semaphore_mem>>, %arg13: memref<!tpu.dma_semaphore, #tpu.memory_space<semaphore_mem>>) attributes {dimension_semantics = [#tpu.dimension_semantics<core_parallel>, #tpu.dimension_semantics<subcore_parallel>], iteration_bounds = array<i64: 2, 16>, scalar_prefetch = 0 : i64, scratch_operands = 9 : i64, tpu.core_type = #tpu.core_type<sc_vector_subcore>, window_params = [{transform_indices = #map}, {transform_indices = #map}, {transform_indices = #map}]} {
    %mul3A = arith.constant 2 : i32
    %mul3A_0 = arith.muli %arg1, %mul3A : i32
    %add3A = arith.addi %mul3A_0, %arg0 : i32
    "tpu.region"() ({
      %run_scoped3A = tpu.sem_alloc : memref<!tpu.dma_semaphore, #tpu.memory_space<semaphore_mem>>
      tpu.enqueue_dma source(%arg3 : memref<32000xi32, #tpu.memory_space<hbm>>) target(%arg5 : memref<32000xi32, #tpu.memory_space<vmem>>) target_semaphore(%run_scoped3A : memref<!tpu.dma_semaphore, #tpu.memory_space<semaphore_mem>>)
      tpu.wait_dma2 semaphore(%run_scoped3A : memref<!tpu.dma_semaphore, #tpu.memory_space<semaphore_mem>>) src(%arg3 : memref<32000xi32, #tpu.memory_space<hbm>>) dst(%arg5 : memref<32000xi32, #tpu.memory_space<vmem>>)
      tpu.yield
    }) : () -> ()
    %iota3A = tpu.iota {dimensions = array<i32: 0>} : vector<16xi32>
    %add3A_1 = arith.constant 16 : i32
    %add3A_2 = vector.broadcast %add3A_1 : i32 to vector<16xi32>
    %add3A_3 = arith.addi %iota3A, %add3A_2 : vector<16xi32>
    %broadcast_in_dim3A = arith.constant 0 : i32
    %broadcast_in_dim3A_4 = vector.broadcast %broadcast_in_dim3A : i32 to vector<16xi32>
    %broadcast_in_dim3A_5 = arith.constant 1 : i32
    %broadcast_in_dim3A_6 = vector.broadcast %broadcast_in_dim3A_5 : i32 to vector<16xi32>
    %broadcast_in_dim3A_7 = arith.constant 2 : i32
    %broadcast_in_dim3A_8 = vector.broadcast %broadcast_in_dim3A_7 : i32 to vector<16xi32>
    %broadcast_in_dim3A_9 = arith.constant 3 : i32
    %broadcast_in_dim3A_10 = vector.broadcast %broadcast_in_dim3A_9 : i32 to vector<16xi32>
    %broadcast_in_dim3A_11 = arith.constant 4 : i32
    %broadcast_in_dim3A_12 = vector.broadcast %broadcast_in_dim3A_11 : i32 to vector<16xi32>
    %broadcast_in_dim3A_13 = arith.constant 5 : i32
    %broadcast_in_dim3A_14 = vector.broadcast %broadcast_in_dim3A_13 : i32 to vector<16xi32>
    %broadcast_in_dim3A_15 = arith.constant 6 : i32
    %broadcast_in_dim3A_16 = vector.broadcast %broadcast_in_dim3A_15 : i32 to vector<16xi32>
    %broadcast_in_dim3A_17 = arith.constant 7 : i32
    %broadcast_in_dim3A_18 = vector.broadcast %broadcast_in_dim3A_17 : i32 to vector<16xi32>
    %broadcast_in_dim3A_19 = arith.constant 8 : i32
    %broadcast_in_dim3A_20 = vector.broadcast %broadcast_in_dim3A_19 : i32 to vector<16xi32>
    %broadcast_in_dim3A_21 = arith.constant 9 : i32
    %broadcast_in_dim3A_22 = vector.broadcast %broadcast_in_dim3A_21 : i32 to vector<16xi32>
    %broadcast_in_dim3A_23 = arith.constant 10 : i32
    %broadcast_in_dim3A_24 = vector.broadcast %broadcast_in_dim3A_23 : i32 to vector<16xi32>
    %broadcast_in_dim3A_25 = arith.constant 11 : i32
    %broadcast_in_dim3A_26 = vector.broadcast %broadcast_in_dim3A_25 : i32 to vector<16xi32>
    %broadcast_in_dim3A_27 = arith.constant 12 : i32
    %broadcast_in_dim3A_28 = vector.broadcast %broadcast_in_dim3A_27 : i32 to vector<16xi32>
    %broadcast_in_dim3A_29 = arith.constant 13 : i32
    %broadcast_in_dim3A_30 = vector.broadcast %broadcast_in_dim3A_29 : i32 to vector<16xi32>
    %broadcast_in_dim3A_31 = arith.constant 14 : i32
    %broadcast_in_dim3A_32 = vector.broadcast %broadcast_in_dim3A_31 : i32 to vector<16xi32>
    %broadcast_in_dim3A_33 = arith.constant 15 : i32
    %broadcast_in_dim3A_34 = vector.broadcast %broadcast_in_dim3A_33 : i32 to vector<16xi32>
    %mul3A_35 = arith.constant 6400 : i32
    %mul3A_36 = arith.muli %add3A, %mul3A_35 : i32
    %add3A_37 = arith.constant 0 : i32
    %add3A_38 = arith.addi %mul3A_36, %add3A_37 : i32
    %mul3A_39 = arith.constant 16 : i32
    %mul3A_40 = arith.muli %add3A_38, %mul3A_39 : i32
    %dma_start3A = tpu.memref_slice %arg2[%mul3A_40] : memref<3276800xi32, #tpu.memory_space<hbm>> -> memref<6400xi32, #tpu.memory_space<hbm>>
    %dma_start3A_41 = tpu.memref_slice %arg2[%mul3A_40] : memref<3276800xi32, #tpu.memory_space<hbm>> -> memref<6400xi32, #tpu.memory_space<hbm>>
    tpu.enqueue_dma source(%dma_start3A_41 : memref<6400xi32, #tpu.memory_space<hbm>>) target(%arg6 : memref<6400xi32, #tpu.memory_space<vmem>>) target_semaphore(%arg10 : memref<!tpu.dma_semaphore, #tpu.memory_space<semaphore_mem>>)
    %scan3A = arith.constant 0 : i32
    %scan3A_42 = arith.constant 0 : i32
    %scan3A_43 = arith.constant 8 : i32
    %scan3A_44 = arith.addi %scan3A_42, %scan3A_43 : i32
    %scan3A_45 = arith.constant 1 : i32
    scf.for %scan3A_58 = %scan3A_42 to %scan3A_44 step %scan3A_45  : i32 {
      %mul3A_59 = arith.constant 2 : i32
      %mul3A_60 = arith.muli %mul3A_59, %scan3A_58 : i32
      %mul3A_61 = arith.constant 2 : i32
      %mul3A_62 = arith.muli %mul3A_61, %scan3A_58 : i32
      %add3A_63 = arith.constant 1 : i32
      %add3A_64 = arith.addi %mul3A_62, %add3A_63 : i32
      %mul3A_65 = arith.constant 400 : i32
      %mul3A_66 = arith.muli %add3A_64, %mul3A_65 : i32
      %add3A_67 = arith.addi %mul3A_36, %mul3A_66 : i32
      %mul3A_68 = arith.constant 16 : i32
      %mul3A_69 = arith.muli %add3A_67, %mul3A_68 : i32
      %dma_start3A_70 = tpu.memref_slice %arg2[%mul3A_69] : memref<3276800xi32, #tpu.memory_space<hbm>> -> memref<6400xi32, #tpu.memory_space<hbm>>
      %dma_start3A_71 = tpu.memref_slice %arg2[%mul3A_69] : memref<3276800xi32, #tpu.memory_space<hbm>> -> memref<6400xi32, #tpu.memory_space<hbm>>
      tpu.enqueue_dma source(%dma_start3A_71 : memref<6400xi32, #tpu.memory_space<hbm>>) target(%arg7 : memref<6400xi32, #tpu.memory_space<vmem>>) target_semaphore(%arg11 : memref<!tpu.dma_semaphore, #tpu.memory_space<semaphore_mem>>)
      %mul3A_72 = arith.constant 400 : i32
      %mul3A_73 = arith.muli %mul3A_60, %mul3A_72 : i32
      %add3A_74 = arith.addi %mul3A_36, %mul3A_73 : i32
      %mul3A_75 = arith.constant 16 : i32
      %mul3A_76 = arith.muli %add3A_74, %mul3A_75 : i32
      %dma_wait3A_77 = tpu.memref_slice %arg2[%mul3A_76] : memref<3276800xi32, #tpu.memory_space<hbm>> -> memref<6400xi32, #tpu.memory_space<hbm>>
      %dma_wait3A_78 = tpu.memref_slice %arg2[%mul3A_76] : memref<3276800xi32, #tpu.memory_space<hbm>> -> memref<6400xi32, #tpu.memory_space<hbm>>
      tpu.wait_dma2 semaphore(%arg10 : memref<!tpu.dma_semaphore, #tpu.memory_space<semaphore_mem>>) src(%dma_wait3A_78 : memref<6400xi32, #tpu.memory_space<hbm>>) dst(%arg6 : memref<6400xi32, #tpu.memory_space<vmem>>)
      %gt3A = arith.constant 0 : i32
      %gt3A_79 = arith.cmpi sgt, %scan3A_58, %gt3A : i32
      %convert_element_type3A = arith.extui %gt3A_79 : i1 to i32
      %cond3A = arith.constant 0 : i32
      %cond3A_80 = arith.cmpi ne, %convert_element_type3A, %cond3A : i32
      scf.if %cond3A_80 {
        %sub3A = arith.constant 2 : i32
        %sub3A_116 = arith.subi %mul3A_60, %sub3A : i32
        %mul3A_117 = arith.constant 400 : i32
        %mul3A_118 = arith.muli %sub3A_116, %mul3A_117 : i32
        %add3A_119 = arith.addi %mul3A_36, %mul3A_118 : i32
        %mul3A_120 = arith.constant 64 : i32
        %mul3A_121 = arith.muli %add3A_119, %mul3A_120 : i32
        %dma_wait3A_122 = tpu.memref_slice %arg4[%mul3A_121] : memref<13107200xf32, #tpu.memory_space<hbm>> -> memref<25600xf32, #tpu.memory_space<hbm>>
        %dma_wait3A_123 = tpu.memref_slice %arg4[%mul3A_121] : memref<13107200xf32, #tpu.memory_space<hbm>> -> memref<25600xf32, #tpu.memory_space<hbm>>
        tpu.wait_dma2 semaphore(%arg12 : memref<!tpu.dma_semaphore, #tpu.memory_space<semaphore_mem>>) src(%arg8 : memref<25600xf32, #tpu.memory_space<vmem>>) dst(%dma_wait3A_123 : memref<25600xf32, #tpu.memory_space<hbm>>)
      } else {
      }
      %parallel_loop3A = arith.constant 0 : i32
      %parallel_loop3A_81 = arith.constant 400 : i32
      %parallel_loop3A_82 = arith.constant 1 : i32
      scf.for %parallel_loop3A_116 = %parallel_loop3A to %parallel_loop3A_81 step %parallel_loop3A_82  : i32 {
        %parallel_loop3A_117 = arith.constant 16 : i32
        %parallel_loop3A_118 = arith.muli %parallel_loop3A_116, %parallel_loop3A_117 : i32
        %parallel_loop3A_119 = arith.index_cast %parallel_loop3A_118 : i32 to index
        %parallel_loop3A_120 = tpu.vector_load %arg6[%parallel_loop3A_119] {strides = array<i32>} : memref<6400xi32, #tpu.memory_space<vmem>>, vector<16xi32>,
        %parallel_loop3A_121 = arith.constant 32 : i32
        %parallel_loop3A_122 = vector.broadcast %parallel_loop3A_121 : i32 to vector<16xi32>
        %parallel_loop3A_123 = arith.muli %parallel_loop3A_120, %parallel_loop3A_122 : vector<16xi32>
        %parallel_loop3A_124 = arith.constant 0 : i32
        %parallel_loop3A_125 = vector.broadcast %parallel_loop3A_124 : i32 to vector<16xi32>
        %parallel_loop3A_126 = arith.cmpi slt, %broadcast_in_dim3A_4, %parallel_loop3A_125 : vector<16xi32>
        %parallel_loop3A_127 = arith.constant 16 : i32
        %parallel_loop3A_128 = vector.broadcast %parallel_loop3A_127 : i32 to vector<16xi32>
        %parallel_loop3A_129 = arith.addi %broadcast_in_dim3A_4, %parallel_loop3A_128 : vector<16xi32>
        %parallel_loop3A_130 = arith.select %parallel_loop3A_126, %parallel_loop3A_129, %broadcast_in_dim3A_4 : vector<16xi1>, vector<16xi32>
        %parallel_loop3A_131 = vector.shape_cast %parallel_loop3A_130 : vector<16xi32> to vector<16x1xi32>
        %parallel_loop3A_132 = vector.shape_cast %parallel_loop3A_131 : vector<16x1xi32> to vector<16xi32>
        %parallel_loop3A_133 = tpu.dynamic_gather %parallel_loop3A_123[%parallel_loop3A_132] in [0] : vector<16xi32>, vector<16xi32> -> vector<16xi32>
        %parallel_loop3A_134 = arith.addi %parallel_loop3A_133, %iota3A : vector<16xi32>
        %parallel_loop3A_135 = tpu.vector_load_idx %arg5[%parallel_loop3A_134] : memref<32000xi32, #tpu.memory_space<vmem>>[vector<16xi32>], vector<16xi32>,
        %parallel_loop3A_136 = vector.bitcast %parallel_loop3A_135 : vector<16xi32> to vector<32xbf16>
        %parallel_loop3A_137 = arith.addi %parallel_loop3A_133, %add3A_3 : vector<16xi32>
        %parallel_loop3A_138 = tpu.vector_load_idx %arg5[%parallel_loop3A_137] : memref<32000xi32, #tpu.memory_space<vmem>>[vector<16xi32>], vector<16xi32>,
        %parallel_loop3A_139 = vector.bitcast %parallel_loop3A_138 : vector<16xi32> to vector<32xbf16>
        %parallel_loop3A_140 = arith.constant 0 : i32
        %parallel_loop3A_141 = vector.broadcast %parallel_loop3A_140 : i32 to vector<16xi32>
        %parallel_loop3A_142 = arith.cmpi slt, %broadcast_in_dim3A_6, %parallel_loop3A_141 : vector<16xi32>
        %parallel_loop3A_143 = arith.constant 16 : i32
        %parallel_loop3A_144 = vector.broadcast %parallel_loop3A_143 : i32 to vector<16xi32>
        %parallel_loop3A_145 = arith.addi %broadcast_in_dim3A_6, %parallel_loop3A_144 : vector<16xi32>
        %parallel_loop3A_146 = arith.select %parallel_loop3A_142, %parallel_loop3A_145, %broadcast_in_dim3A_6 : vector<16xi1>, vector<16xi32>
        %parallel_loop3A_147 = vector.shape_cast %parallel_loop3A_146 : vector<16xi32> to vector<16x1xi32>
        %parallel_loop3A_148 = vector.shape_cast %parallel_loop3A_147 : vector<16x1xi32> to vector<16xi32>
        %parallel_loop3A_149 = tpu.dynamic_gather %parallel_loop3A_123[%parallel_loop3A_148] in [0] : vector<16xi32>, vector<16xi32> -> vector<16xi32>
        %parallel_loop3A_150 = arith.addi %parallel_loop3A_149, %iota3A : vector<16xi32>
        %parallel_loop3A_151 = tpu.vector_load_idx %arg5[%parallel_loop3A_150] : memref<32000xi32, #tpu.memory_space<vmem>>[vector<16xi32>], vector<16xi32>,
        %parallel_loop3A_152 = vector.bitcast %parallel_loop3A_151 : vector<16xi32> to vector<32xbf16>
        %parallel_loop3A_153 = arith.addi %parallel_loop3A_149, %add3A_3 : vector<16xi32>
        %parallel_loop3A_154 = tpu.vector_load_idx %arg5[%parallel_loop3A_153] : memref<32000xi32, #tpu.memory_space<vmem>>[vector<16xi32>], vector<16xi32>,
        %parallel_loop3A_155 = vector.bitcast %parallel_loop3A_154 : vector<16xi32> to vector<32xbf16>
        %parallel_loop3A_156 = arith.addf %parallel_loop3A_136, %parallel_loop3A_152 : vector<32xbf16>
        %parallel_loop3A_157 = arith.addf %parallel_loop3A_139, %parallel_loop3A_155 : vector<32xbf16>
        %parallel_loop3A_158 = arith.constant 0 : i32
        %parallel_loop3A_159 = vector.broadcast %parallel_loop3A_158 : i32 to vector<16xi32>
        %parallel_loop3A_160 = arith.cmpi slt, %broadcast_in_dim3A_8, %parallel_loop3A_159 : vector<16xi32>
        %parallel_loop3A_161 = arith.constant 16 : i32
        %parallel_loop3A_162 = vector.broadcast %parallel_loop3A_161 : i32 to vector<16xi32>
        %parallel_loop3A_163 = arith.addi %broadcast_in_dim3A_8, %parallel_loop3A_162 : vector<16xi32>
        %parallel_loop3A_164 = arith.select %parallel_loop3A_160, %parallel_loop3A_163, %broadcast_in_dim3A_8 : vector<16xi1>, vector<16xi32>
        %parallel_loop3A_165 = vector.shape_cast %parallel_loop3A_164 : vector<16xi32> to vector<16x1xi32>
        %parallel_loop3A_166 = vector.shape_cast %parallel_loop3A_165 : vector<16x1xi32> to vector<16xi32>
        %parallel_loop3A_167 = tpu.dynamic_gather %parallel_loop3A_123[%parallel_loop3A_166] in [0] : vector<16xi32>, vector<16xi32> -> vector<16xi32>
        %parallel_loop3A_168 = arith.addi %parallel_loop3A_167, %iota3A : vector<16xi32>
        %parallel_loop3A_169 = tpu.vector_load_idx %arg5[%parallel_loop3A_168] : memref<32000xi32, #tpu.memory_space<vmem>>[vector<16xi32>], vector<16xi32>,
        %parallel_loop3A_170 = vector.bitcast %parallel_loop3A_169 : vector<16xi32> to vector<32xbf16>
        %parallel_loop3A_171 = arith.addi %parallel_loop3A_167, %add3A_3 : vector<16xi32>
        %parallel_loop3A_172 = tpu.vector_load_idx %arg5[%parallel_loop3A_171] : memref<32000xi32, #tpu.memory_space<vmem>>[vector<16xi32>], vector<16xi32>,
        %parallel_loop3A_173 = vector.bitcast %parallel_loop3A_172 : vector<16xi32> to vector<32xbf16>
        %parallel_loop3A_174 = arith.addf %parallel_loop3A_156, %parallel_loop3A_170 : vector<32xbf16>
        %parallel_loop3A_175 = arith.addf %parallel_loop3A_157, %parallel_loop3A_173 : vector<32xbf16>
        %parallel_loop3A_176 = arith.constant 0 : i32
        %parallel_loop3A_177 = vector.broadcast %parallel_loop3A_176 : i32 to vector<16xi32>
        %parallel_loop3A_178 = arith.cmpi slt, %broadcast_in_dim3A_10, %parallel_loop3A_177 : vector<16xi32>
        %parallel_loop3A_179 = arith.constant 16 : i32
        %parallel_loop3A_180 = vector.broadcast %parallel_loop3A_179 : i32 to vector<16xi32>
        %parallel_loop3A_181 = arith.addi %broadcast_in_dim3A_10, %parallel_loop3A_180 : vector<16xi32>
        %parallel_loop3A_182 = arith.select %parallel_loop3A_178, %parallel_loop3A_181, %broadcast_in_dim3A_10 : vector<16xi1>, vector<16xi32>
        %parallel_loop3A_183 = vector.shape_cast %parallel_loop3A_182 : vector<16xi32> to vector<16x1xi32>
        %parallel_loop3A_184 = vector.shape_cast %parallel_loop3A_183 : vector<16x1xi32> to vector<16xi32>
        %parallel_loop3A_185 = tpu.dynamic_gather %parallel_loop3A_123[%parallel_loop3A_184] in [0] : vector<16xi32>, vector<16xi32> -> vector<16xi32>
        %parallel_loop3A_186 = arith.addi %parallel_loop3A_185, %iota3A : vector<16xi32>
        %parallel_loop3A_187 = tpu.vector_load_idx %arg5[%parallel_loop3A_186] : memref<32000xi32, #tpu.memory_space<vmem>>[vector<16xi32>], vector<16xi32>,
        %parallel_loop3A_188 = vector.bitcast %parallel_loop3A_187 : vector<16xi32> to vector<32xbf16>
        %parallel_loop3A_189 = arith.addi %parallel_loop3A_185, %add3A_3 : vector<16xi32>
        %parallel_loop3A_190 = tpu.vector_load_idx %arg5[%parallel_loop3A_189] : memref<32000xi32, #tpu.memory_space<vmem>>[vector<16xi32>], vector<16xi32>,
        %parallel_loop3A_191 = vector.bitcast %parallel_loop3A_190 : vector<16xi32> to vector<32xbf16>
        %parallel_loop3A_192 = arith.addf %parallel_loop3A_174, %parallel_loop3A_188 : vector<32xbf16>
        %parallel_loop3A_193 = arith.addf %parallel_loop3A_175, %parallel_loop3A_191 : vector<32xbf16>
        %parallel_loop3A_194 = arith.constant 0 : i32
        %parallel_loop3A_195 = vector.broadcast %parallel_loop3A_194 : i32 to vector<16xi32>
        %parallel_loop3A_196 = arith.cmpi slt, %broadcast_in_dim3A_12, %parallel_loop3A_195 : vector<16xi32>
        %parallel_loop3A_197 = arith.constant 16 : i32
        %parallel_loop3A_198 = vector.broadcast %parallel_loop3A_197 : i32 to vector<16xi32>
        %parallel_loop3A_199 = arith.addi %broadcast_in_dim3A_12, %parallel_loop3A_198 : vector<16xi32>
        %parallel_loop3A_200 = arith.select %parallel_loop3A_196, %parallel_loop3A_199, %broadcast_in_dim3A_12 : vector<16xi1>, vector<16xi32>
        %parallel_loop3A_201 = vector.shape_cast %parallel_loop3A_200 : vector<16xi32> to vector<16x1xi32>
        %parallel_loop3A_202 = vector.shape_cast %parallel_loop3A_201 : vector<16x1xi32> to vector<16xi32>
        %parallel_loop3A_203 = tpu.dynamic_gather %parallel_loop3A_123[%parallel_loop3A_202] in [0] : vector<16xi32>, vector<16xi32> -> vector<16xi32>
        %parallel_loop3A_204 = arith.addi %parallel_loop3A_203, %iota3A : vector<16xi32>
        %parallel_loop3A_205 = tpu.vector_load_idx %arg5[%parallel_loop3A_204] : memref<32000xi32, #tpu.memory_space<vmem>>[vector<16xi32>], vector<16xi32>,
        %parallel_loop3A_206 = vector.bitcast %parallel_loop3A_205 : vector<16xi32> to vector<32xbf16>
        %parallel_loop3A_207 = arith.addi %parallel_loop3A_203, %add3A_3 : vector<16xi32>
        %parallel_loop3A_208 = tpu.vector_load_idx %arg5[%parallel_loop3A_207] : memref<32000xi32, #tpu.memory_space<vmem>>[vector<16xi32>], vector<16xi32>,
        %parallel_loop3A_209 = vector.bitcast %parallel_loop3A_208 : vector<16xi32> to vector<32xbf16>
        %parallel_loop3A_210 = arith.addf %parallel_loop3A_192, %parallel_loop3A_206 : vector<32xbf16>
        %parallel_loop3A_211 = arith.addf %parallel_loop3A_193, %parallel_loop3A_209 : vector<32xbf16>
        %parallel_loop3A_212 = arith.constant 0 : i32
        %parallel_loop3A_213 = vector.broadcast %parallel_loop3A_212 : i32 to vector<16xi32>
        %parallel_loop3A_214 = arith.cmpi slt, %broadcast_in_dim3A_14, %parallel_loop3A_213 : vector<16xi32>
        %parallel_loop3A_215 = arith.constant 16 : i32
        %parallel_loop3A_216 = vector.broadcast %parallel_loop3A_215 : i32 to vector<16xi32>
        %parallel_loop3A_217 = arith.addi %broadcast_in_dim3A_14, %parallel_loop3A_216 : vector<16xi32>
        %parallel_loop3A_218 = arith.select %parallel_loop3A_214, %parallel_loop3A_217, %broadcast_in_dim3A_14 : vector<16xi1>, vector<16xi32>
        %parallel_loop3A_219 = vector.shape_cast %parallel_loop3A_218 : vector<16xi32> to vector<16x1xi32>
        %parallel_loop3A_220 = vector.shape_cast %parallel_loop3A_219 : vector<16x1xi32> to vector<16xi32>
        %parallel_loop3A_221 = tpu.dynamic_gather %parallel_loop3A_123[%parallel_loop3A_220] in [0] : vector<16xi32>, vector<16xi32> -> vector<16xi32>
        %parallel_loop3A_222 = arith.addi %parallel_loop3A_221, %iota3A : vector<16xi32>
        %parallel_loop3A_223 = tpu.vector_load_idx %arg5[%parallel_loop3A_222] : memref<32000xi32, #tpu.memory_space<vmem>>[vector<16xi32>], vector<16xi32>,
        %parallel_loop3A_224 = vector.bitcast %parallel_loop3A_223 : vector<16xi32> to vector<32xbf16>
        %parallel_loop3A_225 = arith.addi %parallel_loop3A_221, %add3A_3 : vector<16xi32>
        %parallel_loop3A_226 = tpu.vector_load_idx %arg5[%parallel_loop3A_225] : memref<32000xi32, #tpu.memory_space<vmem>>[vector<16xi32>], vector<16xi32>,
        %parallel_loop3A_227 = vector.bitcast %parallel_loop3A_226 : vector<16xi32> to vector<32xbf16>
        %parallel_loop3A_228 = arith.addf %parallel_loop3A_210, %parallel_loop3A_224 : vector<32xbf16>
        %parallel_loop3A_229 = arith.addf %parallel_loop3A_211, %parallel_loop3A_227 : vector<32xbf16>
        %parallel_loop3A_230 = arith.constant 0 : i32
        %parallel_loop3A_231 = vector.broadcast %parallel_loop3A_230 : i32 to vector<16xi32>
        %parallel_loop3A_232 = arith.cmpi slt, %broadcast_in_dim3A_16, %parallel_loop3A_231 : vector<16xi32>
        %parallel_loop3A_233 = arith.constant 16 : i32
        %parallel_loop3A_234 = vector.broadcast %parallel_loop3A_233 : i32 to vector<16xi32>
        %parallel_loop3A_235 = arith.addi %broadcast_in_dim3A_16, %parallel_loop3A_234 : vector<16xi32>
        %parallel_loop3A_236 = arith.select %parallel_loop3A_232, %parallel_loop3A_235, %broadcast_in_dim3A_16 : vector<16xi1>, vector<16xi32>
        %parallel_loop3A_237 = vector.shape_cast %parallel_loop3A_236 : vector<16xi32> to vector<16x1xi32>
        %parallel_loop3A_238 = vector.shape_cast %parallel_loop3A_237 : vector<16x1xi32> to vector<16xi32>
        %parallel_loop3A_239 = tpu.dynamic_gather %parallel_loop3A_123[%parallel_loop3A_238] in [0] : vector<16xi32>, vector<16xi32> -> vector<16xi32>
        %parallel_loop3A_240 = arith.addi %parallel_loop3A_239, %iota3A : vector<16xi32>
        %parallel_loop3A_241 = tpu.vector_load_idx %arg5[%parallel_loop3A_240] : memref<32000xi32, #tpu.memory_space<vmem>>[vector<16xi32>], vector<16xi32>,
        %parallel_loop3A_242 = vector.bitcast %parallel_loop3A_241 : vector<16xi32> to vector<32xbf16>
        %parallel_loop3A_243 = arith.addi %parallel_loop3A_239, %add3A_3 : vector<16xi32>
        %parallel_loop3A_244 = tpu.vector_load_idx %arg5[%parallel_loop3A_243] : memref<32000xi32, #tpu.memory_space<vmem>>[vector<16xi32>], vector<16xi32>,
        %parallel_loop3A_245 = vector.bitcast %parallel_loop3A_244 : vector<16xi32> to vector<32xbf16>
        %parallel_loop3A_246 = arith.addf %parallel_loop3A_228, %parallel_loop3A_242 : vector<32xbf16>
        %parallel_loop3A_247 = arith.addf %parallel_loop3A_229, %parallel_loop3A_245 : vector<32xbf16>
        %parallel_loop3A_248 = arith.constant 0 : i32
        %parallel_loop3A_249 = vector.broadcast %parallel_loop3A_248 : i32 to vector<16xi32>
        %parallel_loop3A_250 = arith.cmpi slt, %broadcast_in_dim3A_18, %parallel_loop3A_249 : vector<16xi32>
        %parallel_loop3A_251 = arith.constant 16 : i32
        %parallel_loop3A_252 = vector.broadcast %parallel_loop3A_251 : i32 to vector<16xi32>
        %parallel_loop3A_253 = arith.addi %broadcast_in_dim3A_18, %parallel_loop3A_252 : vector<16xi32>
        %parallel_loop3A_254 = arith.select %parallel_loop3A_250, %parallel_loop3A_253, %broadcast_in_dim3A_18 : vector<16xi1>, vector<16xi32>
        %parallel_loop3A_255 = vector.shape_cast %parallel_loop3A_254 : vector<16xi32> to vector<16x1xi32>
        %parallel_loop3A_256 = vector.shape_cast %parallel_loop3A_255 : vector<16x1xi32> to vector<16xi32>
        %parallel_loop3A_257 = tpu.dynamic_gather %parallel_loop3A_123[%parallel_loop3A_256] in [0] : vector<16xi32>, vector<16xi32> -> vector<16xi32>
        %parallel_loop3A_258 = arith.addi %parallel_loop3A_257, %iota3A : vector<16xi32>
        %parallel_loop3A_259 = tpu.vector_load_idx %arg5[%parallel_loop3A_258] : memref<32000xi32, #tpu.memory_space<vmem>>[vector<16xi32>], vector<16xi32>,
        %parallel_loop3A_260 = vector.bitcast %parallel_loop3A_259 : vector<16xi32> to vector<32xbf16>
        %parallel_loop3A_261 = arith.addi %parallel_loop3A_257, %add3A_3 : vector<16xi32>
        %parallel_loop3A_262 = tpu.vector_load_idx %arg5[%parallel_loop3A_261] : memref<32000xi32, #tpu.memory_space<vmem>>[vector<16xi32>], vector<16xi32>,
        %parallel_loop3A_263 = vector.bitcast %parallel_loop3A_262 : vector<16xi32> to vector<32xbf16>
        %parallel_loop3A_264 = arith.addf %parallel_loop3A_246, %parallel_loop3A_260 : vector<32xbf16>
        %parallel_loop3A_265 = arith.addf %parallel_loop3A_247, %parallel_loop3A_263 : vector<32xbf16>
        %parallel_loop3A_266 = arith.constant 0 : i32
        %parallel_loop3A_267 = vector.broadcast %parallel_loop3A_266 : i32 to vector<16xi32>
        %parallel_loop3A_268 = arith.cmpi slt, %broadcast_in_dim3A_20, %parallel_loop3A_267 : vector<16xi32>
        %parallel_loop3A_269 = arith.constant 16 : i32
        %parallel_loop3A_270 = vector.broadcast %parallel_loop3A_269 : i32 to vector<16xi32>
        %parallel_loop3A_271 = arith.addi %broadcast_in_dim3A_20, %parallel_loop3A_270 : vector<16xi32>
        %parallel_loop3A_272 = arith.select %parallel_loop3A_268, %parallel_loop3A_271, %broadcast_in_dim3A_20 : vector<16xi1>, vector<16xi32>
        %parallel_loop3A_273 = vector.shape_cast %parallel_loop3A_272 : vector<16xi32> to vector<16x1xi32>
        %parallel_loop3A_274 = vector.shape_cast %parallel_loop3A_273 : vector<16x1xi32> to vector<16xi32>
        %parallel_loop3A_275 = tpu.dynamic_gather %parallel_loop3A_123[%parallel_loop3A_274] in [0] : vector<16xi32>, vector<16xi32> -> vector<16xi32>
        %parallel_loop3A_276 = arith.addi %parallel_loop3A_275, %iota3A : vector<16xi32>
        %parallel_loop3A_277 = tpu.vector_load_idx %arg5[%parallel_loop3A_276] : memref<32000xi32, #tpu.memory_space<vmem>>[vector<16xi32>], vector<16xi32>,
        %parallel_loop3A_278 = vector.bitcast %parallel_loop3A_277 : vector<16xi32> to vector<32xbf16>
        %parallel_loop3A_279 = arith.addi %parallel_loop3A_275, %add3A_3 : vector<16xi32>
        %parallel_loop3A_280 = tpu.vector_load_idx %arg5[%parallel_loop3A_279] : memref<32000xi32, #tpu.memory_space<vmem>>[vector<16xi32>], vector<16xi32>,
        %parallel_loop3A_281 = vector.bitcast %parallel_loop3A_280 : vector<16xi32> to vector<32xbf16>
        %parallel_loop3A_282 = arith.addf %parallel_loop3A_264, %parallel_loop3A_278 : vector<32xbf16>
        %parallel_loop3A_283 = arith.addf %parallel_loop3A_265, %parallel_loop3A_281 : vector<32xbf16>
        %parallel_loop3A_284 = arith.constant 0 : i32
        %parallel_loop3A_285 = vector.broadcast %parallel_loop3A_284 : i32 to vector<16xi32>
        %parallel_loop3A_286 = arith.cmpi slt, %broadcast_in_dim3A_22, %parallel_loop3A_285 : vector<16xi32>
        %parallel_loop3A_287 = arith.constant 16 : i32
        %parallel_loop3A_288 = vector.broadcast %parallel_loop3A_287 : i32 to vector<16xi32>
        %parallel_loop3A_289 = arith.addi %broadcast_in_dim3A_22, %parallel_loop3A_288 : vector<16xi32>
        %parallel_loop3A_290 = arith.select %parallel_loop3A_286, %parallel_loop3A_289, %broadcast_in_dim3A_22 : vector<16xi1>, vector<16xi32>
        %parallel_loop3A_291 = vector.shape_cast %parallel_loop3A_290 : vector<16xi32> to vector<16x1xi32>
        %parallel_loop3A_292 = vector.shape_cast %parallel_loop3A_291 : vector<16x1xi32> to vector<16xi32>
        %parallel_loop3A_293 = tpu.dynamic_gather %parallel_loop3A_123[%parallel_loop3A_292] in [0] : vector<16xi32>, vector<16xi32> -> vector<16xi32>
        %parallel_loop3A_294 = arith.addi %parallel_loop3A_293, %iota3A : vector<16xi32>
        %parallel_loop3A_295 = tpu.vector_load_idx %arg5[%parallel_loop3A_294] : memref<32000xi32, #tpu.memory_space<vmem>>[vector<16xi32>], vector<16xi32>,
        %parallel_loop3A_296 = vector.bitcast %parallel_loop3A_295 : vector<16xi32> to vector<32xbf16>
        %parallel_loop3A_297 = arith.addi %parallel_loop3A_293, %add3A_3 : vector<16xi32>
        %parallel_loop3A_298 = tpu.vector_load_idx %arg5[%parallel_loop3A_297] : memref<32000xi32, #tpu.memory_space<vmem>>[vector<16xi32>], vector<16xi32>,
        %parallel_loop3A_299 = vector.bitcast %parallel_loop3A_298 : vector<16xi32> to vector<32xbf16>
        %parallel_loop3A_300 = arith.addf %parallel_loop3A_282, %parallel_loop3A_296 : vector<32xbf16>
        %parallel_loop3A_301 = arith.addf %parallel_loop3A_283, %parallel_loop3A_299 : vector<32xbf16>
        %parallel_loop3A_302 = arith.constant 0 : i32
        %parallel_loop3A_303 = vector.broadcast %parallel_loop3A_302 : i32 to vector<16xi32>
        %parallel_loop3A_304 = arith.cmpi slt, %broadcast_in_dim3A_24, %parallel_loop3A_303 : vector<16xi32>
        %parallel_loop3A_305 = arith.constant 16 : i32
        %parallel_loop3A_306 = vector.broadcast %parallel_loop3A_305 : i32 to vector<16xi32>
        %parallel_loop3A_307 = arith.addi %broadcast_in_dim3A_24, %parallel_loop3A_306 : vector<16xi32>
        %parallel_loop3A_308 = arith.select %parallel_loop3A_304, %parallel_loop3A_307, %broadcast_in_dim3A_24 : vector<16xi1>, vector<16xi32>
        %parallel_loop3A_309 = vector.shape_cast %parallel_loop3A_308 : vector<16xi32> to vector<16x1xi32>
        %parallel_loop3A_310 = vector.shape_cast %parallel_loop3A_309 : vector<16x1xi32> to vector<16xi32>
        %parallel_loop3A_311 = tpu.dynamic_gather %parallel_loop3A_123[%parallel_loop3A_310] in [0] : vector<16xi32>, vector<16xi32> -> vector<16xi32>
        %parallel_loop3A_312 = arith.addi %parallel_loop3A_311, %iota3A : vector<16xi32>
        %parallel_loop3A_313 = tpu.vector_load_idx %arg5[%parallel_loop3A_312] : memref<32000xi32, #tpu.memory_space<vmem>>[vector<16xi32>], vector<16xi32>,
        %parallel_loop3A_314 = vector.bitcast %parallel_loop3A_313 : vector<16xi32> to vector<32xbf16>
        %parallel_loop3A_315 = arith.addi %parallel_loop3A_311, %add3A_3 : vector<16xi32>
        %parallel_loop3A_316 = tpu.vector_load_idx %arg5[%parallel_loop3A_315] : memref<32000xi32, #tpu.memory_space<vmem>>[vector<16xi32>], vector<16xi32>,
        %parallel_loop3A_317 = vector.bitcast %parallel_loop3A_316 : vector<16xi32> to vector<32xbf16>
        %parallel_loop3A_318 = arith.addf %parallel_loop3A_300, %parallel_loop3A_314 : vector<32xbf16>
        %parallel_loop3A_319 = arith.addf %parallel_loop3A_301, %parallel_loop3A_317 : vector<32xbf16>
        %parallel_loop3A_320 = arith.constant 0 : i32
        %parallel_loop3A_321 = vector.broadcast %parallel_loop3A_320 : i32 to vector<16xi32>
        %parallel_loop3A_322 = arith.cmpi slt, %broadcast_in_dim3A_26, %parallel_loop3A_321 : vector<16xi32>
        %parallel_loop3A_323 = arith.constant 16 : i32
        %parallel_loop3A_324 = vector.broadcast %parallel_loop3A_323 : i32 to vector<16xi32>
        %parallel_loop3A_325 = arith.addi %broadcast_in_dim3A_26, %parallel_loop3A_324 : vector<16xi32>
        %parallel_loop3A_326 = arith.select %parallel_loop3A_322, %parallel_loop3A_325, %broadcast_in_dim3A_26 : vector<16xi1>, vector<16xi32>
        %parallel_loop3A_327 = vector.shape_cast %parallel_loop3A_326 : vector<16xi32> to vector<16x1xi32>
        %parallel_loop3A_328 = vector.shape_cast %parallel_loop3A_327 : vector<16x1xi32> to vector<16xi32>
        %parallel_loop3A_329 = tpu.dynamic_gather %parallel_loop3A_123[%parallel_loop3A_328] in [0] : vector<16xi32>, vector<16xi32> -> vector<16xi32>
        %parallel_loop3A_330 = arith.addi %parallel_loop3A_329, %iota3A : vector<16xi32>
        %parallel_loop3A_331 = tpu.vector_load_idx %arg5[%parallel_loop3A_330] : memref<32000xi32, #tpu.memory_space<vmem>>[vector<16xi32>], vector<16xi32>,
        %parallel_loop3A_332 = vector.bitcast %parallel_loop3A_331 : vector<16xi32> to vector<32xbf16>
        %parallel_loop3A_333 = arith.addi %parallel_loop3A_329, %add3A_3 : vector<16xi32>
        %parallel_loop3A_334 = tpu.vector_load_idx %arg5[%parallel_loop3A_333] : memref<32000xi32, #tpu.memory_space<vmem>>[vector<16xi32>], vector<16xi32>,
        %parallel_loop3A_335 = vector.bitcast %parallel_loop3A_334 : vector<16xi32> to vector<32xbf16>
        %parallel_loop3A_336 = arith.addf %parallel_loop3A_318, %parallel_loop3A_332 : vector<32xbf16>
        %parallel_loop3A_337 = arith.addf %parallel_loop3A_319, %parallel_loop3A_335 : vector<32xbf16>
        %parallel_loop3A_338 = arith.constant 0 : i32
        %parallel_loop3A_339 = vector.broadcast %parallel_loop3A_338 : i32 to vector<16xi32>
        %parallel_loop3A_340 = arith.cmpi slt, %broadcast_in_dim3A_28, %parallel_loop3A_339 : vector<16xi32>
        %parallel_loop3A_341 = arith.constant 16 : i32
        %parallel_loop3A_342 = vector.broadcast %parallel_loop3A_341 : i32 to vector<16xi32>
        %parallel_loop3A_343 = arith.addi %broadcast_in_dim3A_28, %parallel_loop3A_342 : vector<16xi32>
        %parallel_loop3A_344 = arith.select %parallel_loop3A_340, %parallel_loop3A_343, %broadcast_in_dim3A_28 : vector<16xi1>, vector<16xi32>
        %parallel_loop3A_345 = vector.shape_cast %parallel_loop3A_344 : vector<16xi32> to vector<16x1xi32>
        %parallel_loop3A_346 = vector.shape_cast %parallel_loop3A_345 : vector<16x1xi32> to vector<16xi32>
        %parallel_loop3A_347 = tpu.dynamic_gather %parallel_loop3A_123[%parallel_loop3A_346] in [0] : vector<16xi32>, vector<16xi32> -> vector<16xi32>
        %parallel_loop3A_348 = arith.addi %parallel_loop3A_347, %iota3A : vector<16xi32>
        %parallel_loop3A_349 = tpu.vector_load_idx %arg5[%parallel_loop3A_348] : memref<32000xi32, #tpu.memory_space<vmem>>[vector<16xi32>], vector<16xi32>,
        %parallel_loop3A_350 = vector.bitcast %parallel_loop3A_349 : vector<16xi32> to vector<32xbf16>
        %parallel_loop3A_351 = arith.addi %parallel_loop3A_347, %add3A_3 : vector<16xi32>
        %parallel_loop3A_352 = tpu.vector_load_idx %arg5[%parallel_loop3A_351] : memref<32000xi32, #tpu.memory_space<vmem>>[vector<16xi32>], vector<16xi32>,
        %parallel_loop3A_353 = vector.bitcast %parallel_loop3A_352 : vector<16xi32> to vector<32xbf16>
        %parallel_loop3A_354 = arith.addf %parallel_loop3A_336, %parallel_loop3A_350 : vector<32xbf16>
        %parallel_loop3A_355 = arith.addf %parallel_loop3A_337, %parallel_loop3A_353 : vector<32xbf16>
        %parallel_loop3A_356 = arith.constant 0 : i32
        %parallel_loop3A_357 = vector.broadcast %parallel_loop3A_356 : i32 to vector<16xi32>
        %parallel_loop3A_358 = arith.cmpi slt, %broadcast_in_dim3A_30, %parallel_loop3A_357 : vector<16xi32>
        %parallel_loop3A_359 = arith.constant 16 : i32
        %parallel_loop3A_360 = vector.broadcast %parallel_loop3A_359 : i32 to vector<16xi32>
        %parallel_loop3A_361 = arith.addi %broadcast_in_dim3A_30, %parallel_loop3A_360 : vector<16xi32>
        %parallel_loop3A_362 = arith.select %parallel_loop3A_358, %parallel_loop3A_361, %broadcast_in_dim3A_30 : vector<16xi1>, vector<16xi32>
        %parallel_loop3A_363 = vector.shape_cast %parallel_loop3A_362 : vector<16xi32> to vector<16x1xi32>
        %parallel_loop3A_364 = vector.shape_cast %parallel_loop3A_363 : vector<16x1xi32> to vector<16xi32>
        %parallel_loop3A_365 = tpu.dynamic_gather %parallel_loop3A_123[%parallel_loop3A_364] in [0] : vector<16xi32>, vector<16xi32> -> vector<16xi32>
        %parallel_loop3A_366 = arith.addi %parallel_loop3A_365, %iota3A : vector<16xi32>
        %parallel_loop3A_367 = tpu.vector_load_idx %arg5[%parallel_loop3A_366] : memref<32000xi32, #tpu.memory_space<vmem>>[vector<16xi32>], vector<16xi32>,
        %parallel_loop3A_368 = vector.bitcast %parallel_loop3A_367 : vector<16xi32> to vector<32xbf16>
        %parallel_loop3A_369 = arith.addi %parallel_loop3A_365, %add3A_3 : vector<16xi32>
        %parallel_loop3A_370 = tpu.vector_load_idx %arg5[%parallel_loop3A_369] : memref<32000xi32, #tpu.memory_space<vmem>>[vector<16xi32>], vector<16xi32>,
        %parallel_loop3A_371 = vector.bitcast %parallel_loop3A_370 : vector<16xi32> to vector<32xbf16>
        %parallel_loop3A_372 = arith.addf %parallel_loop3A_354, %parallel_loop3A_368 : vector<32xbf16>
        %parallel_loop3A_373 = arith.addf %parallel_loop3A_355, %parallel_loop3A_371 : vector<32xbf16>
        %parallel_loop3A_374 = arith.constant 0 : i32
        %parallel_loop3A_375 = vector.broadcast %parallel_loop3A_374 : i32 to vector<16xi32>
        %parallel_loop3A_376 = arith.cmpi slt, %broadcast_in_dim3A_32, %parallel_loop3A_375 : vector<16xi32>
        %parallel_loop3A_377 = arith.constant 16 : i32
        %parallel_loop3A_378 = vector.broadcast %parallel_loop3A_377 : i32 to vector<16xi32>
        %parallel_loop3A_379 = arith.addi %broadcast_in_dim3A_32, %parallel_loop3A_378 : vector<16xi32>
        %parallel_loop3A_380 = arith.select %parallel_loop3A_376, %parallel_loop3A_379, %broadcast_in_dim3A_32 : vector<16xi1>, vector<16xi32>
        %parallel_loop3A_381 = vector.shape_cast %parallel_loop3A_380 : vector<16xi32> to vector<16x1xi32>
        %parallel_loop3A_382 = vector.shape_cast %parallel_loop3A_381 : vector<16x1xi32> to vector<16xi32>
        %parallel_loop3A_383 = tpu.dynamic_gather %parallel_loop3A_123[%parallel_loop3A_382] in [0] : vector<16xi32>, vector<16xi32> -> vector<16xi32>
        %parallel_loop3A_384 = arith.addi %parallel_loop3A_383, %iota3A : vector<16xi32>
        %parallel_loop3A_385 = tpu.vector_load_idx %arg5[%parallel_loop3A_384] : memref<32000xi32, #tpu.memory_space<vmem>>[vector<16xi32>], vector<16xi32>,
        %parallel_loop3A_386 = vector.bitcast %parallel_loop3A_385 : vector<16xi32> to vector<32xbf16>
        %parallel_loop3A_387 = arith.addi %parallel_loop3A_383, %add3A_3 : vector<16xi32>
        %parallel_loop3A_388 = tpu.vector_load_idx %arg5[%parallel_loop3A_387] : memref<32000xi32, #tpu.memory_space<vmem>>[vector<16xi32>], vector<16xi32>,
        %parallel_loop3A_389 = vector.bitcast %parallel_loop3A_388 : vector<16xi32> to vector<32xbf16>
        %parallel_loop3A_390 = arith.addf %parallel_loop3A_372, %parallel_loop3A_386 : vector<32xbf16>
        %parallel_loop3A_391 = arith.addf %parallel_loop3A_373, %parallel_loop3A_389 : vector<32xbf16>
        %parallel_loop3A_392 = arith.constant 0 : i32
        %parallel_loop3A_393 = vector.broadcast %parallel_loop3A_392 : i32 to vector<16xi32>
        %parallel_loop3A_394 = arith.cmpi slt, %broadcast_in_dim3A_34, %parallel_loop3A_393 : vector<16xi32>
        %parallel_loop3A_395 = arith.constant 16 : i32
        %parallel_loop3A_396 = vector.broadcast %parallel_loop3A_395 : i32 to vector<16xi32>
        %parallel_loop3A_397 = arith.addi %broadcast_in_dim3A_34, %parallel_loop3A_396 : vector<16xi32>
        %parallel_loop3A_398 = arith.select %parallel_loop3A_394, %parallel_loop3A_397, %broadcast_in_dim3A_34 : vector<16xi1>, vector<16xi32>
        %parallel_loop3A_399 = vector.shape_cast %parallel_loop3A_398 : vector<16xi32> to vector<16x1xi32>
        %parallel_loop3A_400 = vector.shape_cast %parallel_loop3A_399 : vector<16x1xi32> to vector<16xi32>
        %parallel_loop3A_401 = tpu.dynamic_gather %parallel_loop3A_123[%parallel_loop3A_400] in [0] : vector<16xi32>, vector<16xi32> -> vector<16xi32>
        %parallel_loop3A_402 = arith.addi %parallel_loop3A_401, %iota3A : vector<16xi32>
        %parallel_loop3A_403 = tpu.vector_load_idx %arg5[%parallel_loop3A_402] : memref<32000xi32, #tpu.memory_space<vmem>>[vector<16xi32>], vector<16xi32>,
        %parallel_loop3A_404 = vector.bitcast %parallel_loop3A_403 : vector<16xi32> to vector<32xbf16>
        %parallel_loop3A_405 = arith.addi %parallel_loop3A_401, %add3A_3 : vector<16xi32>
        %parallel_loop3A_406 = tpu.vector_load_idx %arg5[%parallel_loop3A_405] : memref<32000xi32, #tpu.memory_space<vmem>>[vector<16xi32>], vector<16xi32>,
        %parallel_loop3A_407 = vector.bitcast %parallel_loop3A_406 : vector<16xi32> to vector<32xbf16>
        %parallel_loop3A_408 = arith.addf %parallel_loop3A_390, %parallel_loop3A_404 : vector<32xbf16>
        %parallel_loop3A_409 = arith.addf %parallel_loop3A_391, %parallel_loop3A_407 : vector<32xbf16>
        %parallel_loop3A_410 = tpu.unpack_subelements %parallel_loop3A_408, 0 {pack_format = #tpu.pack_format<interleaved>} : vector<32xbf16> -> vector<16xf32>
        %parallel_loop3A_411 = tpu.unpack_subelements %parallel_loop3A_408, 1 {pack_format = #tpu.pack_format<interleaved>} : vector<32xbf16> -> vector<16xf32>
        %parallel_loop3A_412 = tpu.unpack_subelements %parallel_loop3A_409, 0 {pack_format = #tpu.pack_format<interleaved>} : vector<32xbf16> -> vector<16xf32>
        %parallel_loop3A_413 = tpu.unpack_subelements %parallel_loop3A_409, 1 {pack_format = #tpu.pack_format<interleaved>} : vector<32xbf16> -> vector<16xf32>
        %parallel_loop3A_414 = arith.constant 64 : i32
        %parallel_loop3A_415 = arith.muli %parallel_loop3A_116, %parallel_loop3A_414 : i32
        %parallel_loop3A_416 = arith.index_cast %parallel_loop3A_415 : i32 to index
        %parallel_loop3A_417 = tpu.vector_load %arg8[%parallel_loop3A_416] {strides = array<i32>} : memref<25600xf32, #tpu.memory_space<vmem>>, vector<16xf32>,
        tpu.vector_store %arg8[%parallel_loop3A_416], %parallel_loop3A_410 {strides = array<i32>} : memref<25600xf32, #tpu.memory_space<vmem>>, vector<16xf32>,
        %parallel_loop3A_418 = arith.constant 16 : i32
        %parallel_loop3A_419 = arith.addi %parallel_loop3A_415, %parallel_loop3A_418 : i32
        %parallel_loop3A_420 = arith.index_cast %parallel_loop3A_419 : i32 to index
        %parallel_loop3A_421 = tpu.vector_load %arg8[%parallel_loop3A_420] {strides = array<i32>} : memref<25600xf32, #tpu.memory_space<vmem>>, vector<16xf32>,
        tpu.vector_store %arg8[%parallel_loop3A_420], %parallel_loop3A_412 {strides = array<i32>} : memref<25600xf32, #tpu.memory_space<vmem>>, vector<16xf32>,
        %parallel_loop3A_422 = arith.constant 32 : i32
        %parallel_loop3A_423 = arith.addi %parallel_loop3A_415, %parallel_loop3A_422 : i32
        %parallel_loop3A_424 = arith.index_cast %parallel_loop3A_423 : i32 to index
        %parallel_loop3A_425 = tpu.vector_load %arg8[%parallel_loop3A_424] {strides = array<i32>} : memref<25600xf32, #tpu.memory_space<vmem>>, vector<16xf32>,
        tpu.vector_store %arg8[%parallel_loop3A_424], %parallel_loop3A_411 {strides = array<i32>} : memref<25600xf32, #tpu.memory_space<vmem>>, vector<16xf32>,
        %parallel_loop3A_426 = arith.constant 48 : i32
        %parallel_loop3A_427 = arith.addi %parallel_loop3A_415, %parallel_loop3A_426 : i32
        %parallel_loop3A_428 = arith.index_cast %parallel_loop3A_427 : i32 to index
        %parallel_loop3A_429 = tpu.vector_load %arg8[%parallel_loop3A_428] {strides = array<i32>} : memref<25600xf32, #tpu.memory_space<vmem>>, vector<16xf32>,
        tpu.vector_store %arg8[%parallel_loop3A_428], %parallel_loop3A_413 {strides = array<i32>} : memref<25600xf32, #tpu.memory_space<vmem>>, vector<16xf32>,
      } {sc.loop_unroll_factor = 1 : i64, sc.parallel_access}
      %mul3A_83 = arith.constant 400 : i32
      %mul3A_84 = arith.muli %mul3A_60, %mul3A_83 : i32
      %add3A_85 = arith.addi %mul3A_36, %mul3A_84 : i32
      %mul3A_86 = arith.constant 64 : i32
      %mul3A_87 = arith.muli %add3A_85, %mul3A_86 : i32
      %dma_start3A_88 = tpu.memref_slice %arg4[%mul3A_87] : memref<13107200xf32, #tpu.memory_space<hbm>> -> memref<25600xf32, #tpu.memory_space<hbm>>
      %dma_start3A_89 = tpu.memref_slice %arg4[%mul3A_87] : memref<13107200xf32, #tpu.memory_space<hbm>> -> memref<25600xf32, #tpu.memory_space<hbm>>
      tpu.enqueue_dma source(%arg8 : memref<25600xf32, #tpu.memory_space<vmem>>) target(%dma_start3A_89 : memref<25600xf32, #tpu.memory_space<hbm>>) target_semaphore(%arg12 : memref<!tpu.dma_semaphore, #tpu.memory_space<semaphore_mem>>)
      %lt3A = arith.constant 7 : i32
      %lt3A_90 = arith.cmpi slt, %scan3A_58, %lt3A : i32
      %convert_element_type3A_91 = arith.extui %lt3A_90 : i1 to i32
      %cond3A_92 = arith.constant 0 : i32
      %cond3A_93 = arith.cmpi ne, %convert_element_type3A_91, %cond3A_92 : i32
      scf.if %cond3A_93 {
        %add3A_116 = arith.constant 2 : i32
        %add3A_117 = arith.addi %mul3A_60, %add3A_116 : i32
        %mul3A_118 = arith.constant 400 : i32
        %mul3A_119 = arith.muli %add3A_117, %mul3A_118 : i32
        %add3A_120 = arith.addi %mul3A_36, %mul3A_119 : i32
        %mul3A_121 = arith.constant 16 : i32
        %mul3A_122 = arith.muli %add3A_120, %mul3A_121 : i32
        %dma_start3A_123 = tpu.memref_slice %arg2[%mul3A_122] : memref<3276800xi32, #tpu.memory_space<hbm>> -> memref<6400xi32, #tpu.memory_space<hbm>>
        %dma_start3A_124 = tpu.memref_slice %arg2[%mul3A_122] : memref<3276800xi32, #tpu.memory_space<hbm>> -> memref<6400xi32, #tpu.memory_space<hbm>>
        tpu.enqueue_dma source(%dma_start3A_124 : memref<6400xi32, #tpu.memory_space<hbm>>) target(%arg6 : memref<6400xi32, #tpu.memory_space<vmem>>) target_semaphore(%arg10 : memref<!tpu.dma_semaphore, #tpu.memory_space<semaphore_mem>>)
      } else {
      }
      %mul3A_94 = arith.constant 400 : i32
      %mul3A_95 = arith.muli %add3A_64, %mul3A_94 : i32
      %add3A_96 = arith.addi %mul3A_36, %mul3A_95 : i32
      %mul3A_97 = arith.constant 16 : i32
      %mul3A_98 = arith.muli %add3A_96, %mul3A_97 : i32
      %dma_wait3A_99 = tpu.memref_slice %arg2[%mul3A_98] : memref<3276800xi32, #tpu.memory_space<hbm>> -> memref<6400xi32, #tpu.memory_space<hbm>>
      %dma_wait3A_100 = tpu.memref_slice %arg2[%mul3A_98] : memref<3276800xi32, #tpu.memory_space<hbm>> -> memref<6400xi32, #tpu.memory_space<hbm>>
      tpu.wait_dma2 semaphore(%arg11 : memref<!tpu.dma_semaphore, #tpu.memory_space<semaphore_mem>>) src(%dma_wait3A_100 : memref<6400xi32, #tpu.memory_space<hbm>>) dst(%arg7 : memref<6400xi32, #tpu.memory_space<vmem>>)
      %gt3A_101 = arith.constant 0 : i32
      %gt3A_102 = arith.cmpi sgt, %scan3A_58, %gt3A_101 : i32
      %convert_element_type3A_103 = arith.extui %gt3A_102 : i1 to i32
      %cond3A_104 = arith.constant 0 : i32
      %cond3A_105 = arith.cmpi ne, %convert_element_type3A_103, %cond3A_104 : i32
      scf.if %cond3A_105 {
        %sub3A = arith.constant 2 : i32
        %sub3A_116 = arith.subi %add3A_64, %sub3A : i32
        %mul3A_117 = arith.constant 400 : i32
        %mul3A_118 = arith.muli %sub3A_116, %mul3A_117 : i32
        %add3A_119 = arith.addi %mul3A_36, %mul3A_118 : i32
        %mul3A_120 = arith.constant 64 : i32
        %mul3A_121 = arith.muli %add3A_119, %mul3A_120 : i32
        %dma_wait3A_122 = tpu.memref_slice %arg4[%mul3A_121] : memref<13107200xf32, #tpu.memory_space<hbm>> -> memref<25600xf32, #tpu.memory_space<hbm>>
        %dma_wait3A_123 = tpu.memref_slice %arg4[%mul3A_121] : memref<13107200xf32, #tpu.memory_space<hbm>> -> memref<25600xf32, #tpu.memory_space<hbm>>
        tpu.wait_dma2 semaphore(%arg13 : memref<!tpu.dma_semaphore, #tpu.memory_space<semaphore_mem>>) src(%arg9 : memref<25600xf32, #tpu.memory_space<vmem>>) dst(%dma_wait3A_123 : memref<25600xf32, #tpu.memory_space<hbm>>)
      } else {
      }
      %parallel_loop3A_106 = arith.constant 0 : i32
      %parallel_loop3A_107 = arith.constant 400 : i32
      %parallel_loop3A_108 = arith.constant 1 : i32
      scf.for %parallel_loop3A_116 = %parallel_loop3A_106 to %parallel_loop3A_107 step %parallel_loop3A_108  : i32 {
        %parallel_loop3A_117 = arith.constant 16 : i32
        %parallel_loop3A_118 = arith.muli %parallel_loop3A_116, %parallel_loop3A_117 : i32
        %parallel_loop3A_119 = arith.index_cast %parallel_loop3A_118 : i32 to index
        %parallel_loop3A_120 = tpu.vector_load %arg7[%parallel_loop3A_119] {strides = array<i32>} : memref<6400xi32, #tpu.memory_space<vmem>>, vector<16xi32>,
        %parallel_loop3A_121 = arith.constant 32 : i32
        %parallel_loop3A_122 = vector.broadcast %parallel_loop3A_121 : i32 to vector<16xi32>
        %parallel_loop3A_123 = arith.muli %parallel_loop3A_120, %parallel_loop3A_122 : vector<16xi32>
        %parallel_loop3A_124 = arith.constant 0 : i32
        %parallel_loop3A_125 = vector.broadcast %parallel_loop3A_124 : i32 to vector<16xi32>
        %parallel_loop3A_126 = arith.cmpi slt, %broadcast_in_dim3A_4, %parallel_loop3A_125 : vector<16xi32>
        %parallel_loop3A_127 = arith.constant 16 : i32
        %parallel_loop3A_128 = vector.broadcast %parallel_loop3A_127 : i32 to vector<16xi32>
        %parallel_loop3A_129 = arith.addi %broadcast_in_dim3A_4, %parallel_loop3A_128 : vector<16xi32>
        %parallel_loop3A_130 = arith.select %parallel_loop3A_126, %parallel_loop3A_129, %broadcast_in_dim3A_4 : vector<16xi1>, vector<16xi32>
        %parallel_loop3A_131 = vector.shape_cast %parallel_loop3A_130 : vector<16xi32> to vector<16x1xi32>
        %parallel_loop3A_132 = vector.shape_cast %parallel_loop3A_131 : vector<16x1xi32> to vector<16xi32>
        %parallel_loop3A_133 = tpu.dynamic_gather %parallel_loop3A_123[%parallel_loop3A_132] in [0] : vector<16xi32>, vector<16xi32> -> vector<16xi32>
        %parallel_loop3A_134 = arith.addi %parallel_loop3A_133, %iota3A : vector<16xi32>
        %parallel_loop3A_135 = tpu.vector_load_idx %arg5[%parallel_loop3A_134] : memref<32000xi32, #tpu.memory_space<vmem>>[vector<16xi32>], vector<16xi32>,
        %parallel_loop3A_136 = vector.bitcast %parallel_loop3A_135 : vector<16xi32> to vector<32xbf16>
        %parallel_loop3A_137 = arith.addi %parallel_loop3A_133, %add3A_3 : vector<16xi32>
        %parallel_loop3A_138 = tpu.vector_load_idx %arg5[%parallel_loop3A_137] : memref<32000xi32, #tpu.memory_space<vmem>>[vector<16xi32>], vector<16xi32>,
        %parallel_loop3A_139 = vector.bitcast %parallel_loop3A_138 : vector<16xi32> to vector<32xbf16>
        %parallel_loop3A_140 = arith.constant 0 : i32
        %parallel_loop3A_141 = vector.broadcast %parallel_loop3A_140 : i32 to vector<16xi32>
        %parallel_loop3A_142 = arith.cmpi slt, %broadcast_in_dim3A_6, %parallel_loop3A_141 : vector<16xi32>
        %parallel_loop3A_143 = arith.constant 16 : i32
        %parallel_loop3A_144 = vector.broadcast %parallel_loop3A_143 : i32 to vector<16xi32>
        %parallel_loop3A_145 = arith.addi %broadcast_in_dim3A_6, %parallel_loop3A_144 : vector<16xi32>
        %parallel_loop3A_146 = arith.select %parallel_loop3A_142, %parallel_loop3A_145, %broadcast_in_dim3A_6 : vector<16xi1>, vector<16xi32>
        %parallel_loop3A_147 = vector.shape_cast %parallel_loop3A_146 : vector<16xi32> to vector<16x1xi32>
        %parallel_loop3A_148 = vector.shape_cast %parallel_loop3A_147 : vector<16x1xi32> to vector<16xi32>
        %parallel_loop3A_149 = tpu.dynamic_gather %parallel_loop3A_123[%parallel_loop3A_148] in [0] : vector<16xi32>, vector<16xi32> -> vector<16xi32>
        %parallel_loop3A_150 = arith.addi %parallel_loop3A_149, %iota3A : vector<16xi32>
        %parallel_loop3A_151 = tpu.vector_load_idx %arg5[%parallel_loop3A_150] : memref<32000xi32, #tpu.memory_space<vmem>>[vector<16xi32>], vector<16xi32>,
        %parallel_loop3A_152 = vector.bitcast %parallel_loop3A_151 : vector<16xi32> to vector<32xbf16>
        %parallel_loop3A_153 = arith.addi %parallel_loop3A_149, %add3A_3 : vector<16xi32>
        %parallel_loop3A_154 = tpu.vector_load_idx %arg5[%parallel_loop3A_153] : memref<32000xi32, #tpu.memory_space<vmem>>[vector<16xi32>], vector<16xi32>,
        %parallel_loop3A_155 = vector.bitcast %parallel_loop3A_154 : vector<16xi32> to vector<32xbf16>
        %parallel_loop3A_156 = arith.addf %parallel_loop3A_136, %parallel_loop3A_152 : vector<32xbf16>
        %parallel_loop3A_157 = arith.addf %parallel_loop3A_139, %parallel_loop3A_155 : vector<32xbf16>
        %parallel_loop3A_158 = arith.constant 0 : i32
        %parallel_loop3A_159 = vector.broadcast %parallel_loop3A_158 : i32 to vector<16xi32>
        %parallel_loop3A_160 = arith.cmpi slt, %broadcast_in_dim3A_8, %parallel_loop3A_159 : vector<16xi32>
        %parallel_loop3A_161 = arith.constant 16 : i32
        %parallel_loop3A_162 = vector.broadcast %parallel_loop3A_161 : i32 to vector<16xi32>
        %parallel_loop3A_163 = arith.addi %broadcast_in_dim3A_8, %parallel_loop3A_162 : vector<16xi32>
        %parallel_loop3A_164 = arith.select %parallel_loop3A_160, %parallel_loop3A_163, %broadcast_in_dim3A_8 : vector<16xi1>, vector<16xi32>
        %parallel_loop3A_165 = vector.shape_cast %parallel_loop3A_164 : vector<16xi32> to vector<16x1xi32>
        %parallel_loop3A_166 = vector.shape_cast %parallel_loop3A_165 : vector<16x1xi32> to vector<16xi32>
        %parallel_loop3A_167 = tpu.dynamic_gather %parallel_loop3A_123[%parallel_loop3A_166] in [0] : vector<16xi32>, vector<16xi32> -> vector<16xi32>
        %parallel_loop3A_168 = arith.addi %parallel_loop3A_167, %iota3A : vector<16xi32>
        %parallel_loop3A_169 = tpu.vector_load_idx %arg5[%parallel_loop3A_168] : memref<32000xi32, #tpu.memory_space<vmem>>[vector<16xi32>], vector<16xi32>,
        %parallel_loop3A_170 = vector.bitcast %parallel_loop3A_169 : vector<16xi32> to vector<32xbf16>
        %parallel_loop3A_171 = arith.addi %parallel_loop3A_167, %add3A_3 : vector<16xi32>
        %parallel_loop3A_172 = tpu.vector_load_idx %arg5[%parallel_loop3A_171] : memref<32000xi32, #tpu.memory_space<vmem>>[vector<16xi32>], vector<16xi32>,
        %parallel_loop3A_173 = vector.bitcast %parallel_loop3A_172 : vector<16xi32> to vector<32xbf16>
        %parallel_loop3A_174 = arith.addf %parallel_loop3A_156, %parallel_loop3A_170 : vector<32xbf16>
        %parallel_loop3A_175 = arith.addf %parallel_loop3A_157, %parallel_loop3A_173 : vector<32xbf16>
        %parallel_loop3A_176 = arith.constant 0 : i32
        %parallel_loop3A_177 = vector.broadcast %parallel_loop3A_176 : i32 to vector<16xi32>
        %parallel_loop3A_178 = arith.cmpi slt, %broadcast_in_dim3A_10, %parallel_loop3A_177 : vector<16xi32>
        %parallel_loop3A_179 = arith.constant 16 : i32
        %parallel_loop3A_180 = vector.broadcast %parallel_loop3A_179 : i32 to vector<16xi32>
        %parallel_loop3A_181 = arith.addi %broadcast_in_dim3A_10, %parallel_loop3A_180 : vector<16xi32>
        %parallel_loop3A_182 = arith.select %parallel_loop3A_178, %parallel_loop3A_181, %broadcast_in_dim3A_10 : vector<16xi1>, vector<16xi32>
        %parallel_loop3A_183 = vector.shape_cast %parallel_loop3A_182 : vector<16xi32> to vector<16x1xi32>
        %parallel_loop3A_184 = vector.shape_cast %parallel_loop3A_183 : vector<16x1xi32> to vector<16xi32>
        %parallel_loop3A_185 = tpu.dynamic_gather %parallel_loop3A_123[%parallel_loop3A_184] in [0] : vector<16xi32>, vector<16xi32> -> vector<16xi32>
        %parallel_loop3A_186 = arith.addi %parallel_loop3A_185, %iota3A : vector<16xi32>
        %parallel_loop3A_187 = tpu.vector_load_idx %arg5[%parallel_loop3A_186] : memref<32000xi32, #tpu.memory_space<vmem>>[vector<16xi32>], vector<16xi32>,
        %parallel_loop3A_188 = vector.bitcast %parallel_loop3A_187 : vector<16xi32> to vector<32xbf16>
        %parallel_loop3A_189 = arith.addi %parallel_loop3A_185, %add3A_3 : vector<16xi32>
        %parallel_loop3A_190 = tpu.vector_load_idx %arg5[%parallel_loop3A_189] : memref<32000xi32, #tpu.memory_space<vmem>>[vector<16xi32>], vector<16xi32>,
        %parallel_loop3A_191 = vector.bitcast %parallel_loop3A_190 : vector<16xi32> to vector<32xbf16>
        %parallel_loop3A_192 = arith.addf %parallel_loop3A_174, %parallel_loop3A_188 : vector<32xbf16>
        %parallel_loop3A_193 = arith.addf %parallel_loop3A_175, %parallel_loop3A_191 : vector<32xbf16>
        %parallel_loop3A_194 = arith.constant 0 : i32
        %parallel_loop3A_195 = vector.broadcast %parallel_loop3A_194 : i32 to vector<16xi32>
        %parallel_loop3A_196 = arith.cmpi slt, %broadcast_in_dim3A_12, %parallel_loop3A_195 : vector<16xi32>
        %parallel_loop3A_197 = arith.constant 16 : i32
        %parallel_loop3A_198 = vector.broadcast %parallel_loop3A_197 : i32 to vector<16xi32>
        %parallel_loop3A_199 = arith.addi %broadcast_in_dim3A_12, %parallel_loop3A_198 : vector<16xi32>
        %parallel_loop3A_200 = arith.select %parallel_loop3A_196, %parallel_loop3A_199, %broadcast_in_dim3A_12 : vector<16xi1>, vector<16xi32>
        %parallel_loop3A_201 = vector.shape_cast %parallel_loop3A_200 : vector<16xi32> to vector<16x1xi32>
        %parallel_loop3A_202 = vector.shape_cast %parallel_loop3A_201 : vector<16x1xi32> to vector<16xi32>
        %parallel_loop3A_203 = tpu.dynamic_gather %parallel_loop3A_123[%parallel_loop3A_202] in [0] : vector<16xi32>, vector<16xi32> -> vector<16xi32>
        %parallel_loop3A_204 = arith.addi %parallel_loop3A_203, %iota3A : vector<16xi32>
        %parallel_loop3A_205 = tpu.vector_load_idx %arg5[%parallel_loop3A_204] : memref<32000xi32, #tpu.memory_space<vmem>>[vector<16xi32>], vector<16xi32>,
        %parallel_loop3A_206 = vector.bitcast %parallel_loop3A_205 : vector<16xi32> to vector<32xbf16>
        %parallel_loop3A_207 = arith.addi %parallel_loop3A_203, %add3A_3 : vector<16xi32>
        %parallel_loop3A_208 = tpu.vector_load_idx %arg5[%parallel_loop3A_207] : memref<32000xi32, #tpu.memory_space<vmem>>[vector<16xi32>], vector<16xi32>,
        %parallel_loop3A_209 = vector.bitcast %parallel_loop3A_208 : vector<16xi32> to vector<32xbf16>
        %parallel_loop3A_210 = arith.addf %parallel_loop3A_192, %parallel_loop3A_206 : vector<32xbf16>
        %parallel_loop3A_211 = arith.addf %parallel_loop3A_193, %parallel_loop3A_209 : vector<32xbf16>
        %parallel_loop3A_212 = arith.constant 0 : i32
        %parallel_loop3A_213 = vector.broadcast %parallel_loop3A_212 : i32 to vector<16xi32>
        %parallel_loop3A_214 = arith.cmpi slt, %broadcast_in_dim3A_14, %parallel_loop3A_213 : vector<16xi32>
        %parallel_loop3A_215 = arith.constant 16 : i32
        %parallel_loop3A_216 = vector.broadcast %parallel_loop3A_215 : i32 to vector<16xi32>
        %parallel_loop3A_217 = arith.addi %broadcast_in_dim3A_14, %parallel_loop3A_216 : vector<16xi32>
        %parallel_loop3A_218 = arith.select %parallel_loop3A_214, %parallel_loop3A_217, %broadcast_in_dim3A_14 : vector<16xi1>, vector<16xi32>
        %parallel_loop3A_219 = vector.shape_cast %parallel_loop3A_218 : vector<16xi32> to vector<16x1xi32>
        %parallel_loop3A_220 = vector.shape_cast %parallel_loop3A_219 : vector<16x1xi32> to vector<16xi32>
        %parallel_loop3A_221 = tpu.dynamic_gather %parallel_loop3A_123[%parallel_loop3A_220] in [0] : vector<16xi32>, vector<16xi32> -> vector<16xi32>
        %parallel_loop3A_222 = arith.addi %parallel_loop3A_221, %iota3A : vector<16xi32>
        %parallel_loop3A_223 = tpu.vector_load_idx %arg5[%parallel_loop3A_222] : memref<32000xi32, #tpu.memory_space<vmem>>[vector<16xi32>], vector<16xi32>,
        %parallel_loop3A_224 = vector.bitcast %parallel_loop3A_223 : vector<16xi32> to vector<32xbf16>
        %parallel_loop3A_225 = arith.addi %parallel_loop3A_221, %add3A_3 : vector<16xi32>
        %parallel_loop3A_226 = tpu.vector_load_idx %arg5[%parallel_loop3A_225] : memref<32000xi32, #tpu.memory_space<vmem>>[vector<16xi32>], vector<16xi32>,
        %parallel_loop3A_227 = vector.bitcast %parallel_loop3A_226 : vector<16xi32> to vector<32xbf16>
        %parallel_loop3A_228 = arith.addf %parallel_loop3A_210, %parallel_loop3A_224 : vector<32xbf16>
        %parallel_loop3A_229 = arith.addf %parallel_loop3A_211, %parallel_loop3A_227 : vector<32xbf16>
        %parallel_loop3A_230 = arith.constant 0 : i32
        %parallel_loop3A_231 = vector.broadcast %parallel_loop3A_230 : i32 to vector<16xi32>
        %parallel_loop3A_232 = arith.cmpi slt, %broadcast_in_dim3A_16, %parallel_loop3A_231 : vector<16xi32>
        %parallel_loop3A_233 = arith.constant 16 : i32
        %parallel_loop3A_234 = vector.broadcast %parallel_loop3A_233 : i32 to vector<16xi32>
        %parallel_loop3A_235 = arith.addi %broadcast_in_dim3A_16, %parallel_loop3A_234 : vector<16xi32>
        %parallel_loop3A_236 = arith.select %parallel_loop3A_232, %parallel_loop3A_235, %broadcast_in_dim3A_16 : vector<16xi1>, vector<16xi32>
        %parallel_loop3A_237 = vector.shape_cast %parallel_loop3A_236 : vector<16xi32> to vector<16x1xi32>
        %parallel_loop3A_238 = vector.shape_cast %parallel_loop3A_237 : vector<16x1xi32> to vector<16xi32>
        %parallel_loop3A_239 = tpu.dynamic_gather %parallel_loop3A_123[%parallel_loop3A_238] in [0] : vector<16xi32>, vector<16xi32> -> vector<16xi32>
        %parallel_loop3A_240 = arith.addi %parallel_loop3A_239, %iota3A : vector<16xi32>
        %parallel_loop3A_241 = tpu.vector_load_idx %arg5[%parallel_loop3A_240] : memref<32000xi32, #tpu.memory_space<vmem>>[vector<16xi32>], vector<16xi32>,
        %parallel_loop3A_242 = vector.bitcast %parallel_loop3A_241 : vector<16xi32> to vector<32xbf16>
        %parallel_loop3A_243 = arith.addi %parallel_loop3A_239, %add3A_3 : vector<16xi32>
        %parallel_loop3A_244 = tpu.vector_load_idx %arg5[%parallel_loop3A_243] : memref<32000xi32, #tpu.memory_space<vmem>>[vector<16xi32>], vector<16xi32>,
        %parallel_loop3A_245 = vector.bitcast %parallel_loop3A_244 : vector<16xi32> to vector<32xbf16>
        %parallel_loop3A_246 = arith.addf %parallel_loop3A_228, %parallel_loop3A_242 : vector<32xbf16>
        %parallel_loop3A_247 = arith.addf %parallel_loop3A_229, %parallel_loop3A_245 : vector<32xbf16>
        %parallel_loop3A_248 = arith.constant 0 : i32
        %parallel_loop3A_249 = vector.broadcast %parallel_loop3A_248 : i32 to vector<16xi32>
        %parallel_loop3A_250 = arith.cmpi slt, %broadcast_in_dim3A_18, %parallel_loop3A_249 : vector<16xi32>
        %parallel_loop3A_251 = arith.constant 16 : i32
        %parallel_loop3A_252 = vector.broadcast %parallel_loop3A_251 : i32 to vector<16xi32>
        %parallel_loop3A_253 = arith.addi %broadcast_in_dim3A_18, %parallel_loop3A_252 : vector<16xi32>
        %parallel_loop3A_254 = arith.select %parallel_loop3A_250, %parallel_loop3A_253, %broadcast_in_dim3A_18 : vector<16xi1>, vector<16xi32>
        %parallel_loop3A_255 = vector.shape_cast %parallel_loop3A_254 : vector<16xi32> to vector<16x1xi32>
        %parallel_loop3A_256 = vector.shape_cast %parallel_loop3A_255 : vector<16x1xi32> to vector<16xi32>
        %parallel_loop3A_257 = tpu.dynamic_gather %parallel_loop3A_123[%parallel_loop3A_256] in [0] : vector<16xi32>, vector<16xi32> -> vector<16xi32>
        %parallel_loop3A_258 = arith.addi %parallel_loop3A_257, %iota3A : vector<16xi32>
        %parallel_loop3A_259 = tpu.vector_load_idx %arg5[%parallel_loop3A_258] : memref<32000xi32, #tpu.memory_space<vmem>>[vector<16xi32>], vector<16xi32>,
        %parallel_loop3A_260 = vector.bitcast %parallel_loop3A_259 : vector<16xi32> to vector<32xbf16>
        %parallel_loop3A_261 = arith.addi %parallel_loop3A_257, %add3A_3 : vector<16xi32>
        %parallel_loop3A_262 = tpu.vector_load_idx %arg5[%parallel_loop3A_261] : memref<32000xi32, #tpu.memory_space<vmem>>[vector<16xi32>], vector<16xi32>,
        %parallel_loop3A_263 = vector.bitcast %parallel_loop3A_262 : vector<16xi32> to vector<32xbf16>
        %parallel_loop3A_264 = arith.addf %parallel_loop3A_246, %parallel_loop3A_260 : vector<32xbf16>
        %parallel_loop3A_265 = arith.addf %parallel_loop3A_247, %parallel_loop3A_263 : vector<32xbf16>
        %parallel_loop3A_266 = arith.constant 0 : i32
        %parallel_loop3A_267 = vector.broadcast %parallel_loop3A_266 : i32 to vector<16xi32>
        %parallel_loop3A_268 = arith.cmpi slt, %broadcast_in_dim3A_20, %parallel_loop3A_267 : vector<16xi32>
        %parallel_loop3A_269 = arith.constant 16 : i32
        %parallel_loop3A_270 = vector.broadcast %parallel_loop3A_269 : i32 to vector<16xi32>
        %parallel_loop3A_271 = arith.addi %broadcast_in_dim3A_20, %parallel_loop3A_270 : vector<16xi32>
        %parallel_loop3A_272 = arith.select %parallel_loop3A_268, %parallel_loop3A_271, %broadcast_in_dim3A_20 : vector<16xi1>, vector<16xi32>
        %parallel_loop3A_273 = vector.shape_cast %parallel_loop3A_272 : vector<16xi32> to vector<16x1xi32>
        %parallel_loop3A_274 = vector.shape_cast %parallel_loop3A_273 : vector<16x1xi32> to vector<16xi32>
        %parallel_loop3A_275 = tpu.dynamic_gather %parallel_loop3A_123[%parallel_loop3A_274] in [0] : vector<16xi32>, vector<16xi32> -> vector<16xi32>
        %parallel_loop3A_276 = arith.addi %parallel_loop3A_275, %iota3A : vector<16xi32>
        %parallel_loop3A_277 = tpu.vector_load_idx %arg5[%parallel_loop3A_276] : memref<32000xi32, #tpu.memory_space<vmem>>[vector<16xi32>], vector<16xi32>,
        %parallel_loop3A_278 = vector.bitcast %parallel_loop3A_277 : vector<16xi32> to vector<32xbf16>
        %parallel_loop3A_279 = arith.addi %parallel_loop3A_275, %add3A_3 : vector<16xi32>
        %parallel_loop3A_280 = tpu.vector_load_idx %arg5[%parallel_loop3A_279] : memref<32000xi32, #tpu.memory_space<vmem>>[vector<16xi32>], vector<16xi32>,
        %parallel_loop3A_281 = vector.bitcast %parallel_loop3A_280 : vector<16xi32> to vector<32xbf16>
        %parallel_loop3A_282 = arith.addf %parallel_loop3A_264, %parallel_loop3A_278 : vector<32xbf16>
        %parallel_loop3A_283 = arith.addf %parallel_loop3A_265, %parallel_loop3A_281 : vector<32xbf16>
        %parallel_loop3A_284 = arith.constant 0 : i32
        %parallel_loop3A_285 = vector.broadcast %parallel_loop3A_284 : i32 to vector<16xi32>
        %parallel_loop3A_286 = arith.cmpi slt, %broadcast_in_dim3A_22, %parallel_loop3A_285 : vector<16xi32>
        %parallel_loop3A_287 = arith.constant 16 : i32
        %parallel_loop3A_288 = vector.broadcast %parallel_loop3A_287 : i32 to vector<16xi32>
        %parallel_loop3A_289 = arith.addi %broadcast_in_dim3A_22, %parallel_loop3A_288 : vector<16xi32>
        %parallel_loop3A_290 = arith.select %parallel_loop3A_286, %parallel_loop3A_289, %broadcast_in_dim3A_22 : vector<16xi1>, vector<16xi32>
        %parallel_loop3A_291 = vector.shape_cast %parallel_loop3A_290 : vector<16xi32> to vector<16x1xi32>
        %parallel_loop3A_292 = vector.shape_cast %parallel_loop3A_291 : vector<16x1xi32> to vector<16xi32>
        %parallel_loop3A_293 = tpu.dynamic_gather %parallel_loop3A_123[%parallel_loop3A_292] in [0] : vector<16xi32>, vector<16xi32> -> vector<16xi32>
        %parallel_loop3A_294 = arith.addi %parallel_loop3A_293, %iota3A : vector<16xi32>
        %parallel_loop3A_295 = tpu.vector_load_idx %arg5[%parallel_loop3A_294] : memref<32000xi32, #tpu.memory_space<vmem>>[vector<16xi32>], vector<16xi32>,
        %parallel_loop3A_296 = vector.bitcast %parallel_loop3A_295 : vector<16xi32> to vector<32xbf16>
        %parallel_loop3A_297 = arith.addi %parallel_loop3A_293, %add3A_3 : vector<16xi32>
        %parallel_loop3A_298 = tpu.vector_load_idx %arg5[%parallel_loop3A_297] : memref<32000xi32, #tpu.memory_space<vmem>>[vector<16xi32>], vector<16xi32>,
        %parallel_loop3A_299 = vector.bitcast %parallel_loop3A_298 : vector<16xi32> to vector<32xbf16>
        %parallel_loop3A_300 = arith.addf %parallel_loop3A_282, %parallel_loop3A_296 : vector<32xbf16>
        %parallel_loop3A_301 = arith.addf %parallel_loop3A_283, %parallel_loop3A_299 : vector<32xbf16>
        %parallel_loop3A_302 = arith.constant 0 : i32
        %parallel_loop3A_303 = vector.broadcast %parallel_loop3A_302 : i32 to vector<16xi32>
        %parallel_loop3A_304 = arith.cmpi slt, %broadcast_in_dim3A_24, %parallel_loop3A_303 : vector<16xi32>
        %parallel_loop3A_305 = arith.constant 16 : i32
        %parallel_loop3A_306 = vector.broadcast %parallel_loop3A_305 : i32 to vector<16xi32>
        %parallel_loop3A_307 = arith.addi %broadcast_in_dim3A_24, %parallel_loop3A_306 : vector<16xi32>
        %parallel_loop3A_308 = arith.select %parallel_loop3A_304, %parallel_loop3A_307, %broadcast_in_dim3A_24 : vector<16xi1>, vector<16xi32>
        %parallel_loop3A_309 = vector.shape_cast %parallel_loop3A_308 : vector<16xi32> to vector<16x1xi32>
        %parallel_loop3A_310 = vector.shape_cast %parallel_loop3A_309 : vector<16x1xi32> to vector<16xi32>
        %parallel_loop3A_311 = tpu.dynamic_gather %parallel_loop3A_123[%parallel_loop3A_310] in [0] : vector<16xi32>, vector<16xi32> -> vector<16xi32>
        %parallel_loop3A_312 = arith.addi %parallel_loop3A_311, %iota3A : vector<16xi32>
        %parallel_loop3A_313 = tpu.vector_load_idx %arg5[%parallel_loop3A_312] : memref<32000xi32, #tpu.memory_space<vmem>>[vector<16xi32>], vector<16xi32>,
        %parallel_loop3A_314 = vector.bitcast %parallel_loop3A_313 : vector<16xi32> to vector<32xbf16>
        %parallel_loop3A_315 = arith.addi %parallel_loop3A_311, %add3A_3 : vector<16xi32>
        %parallel_loop3A_316 = tpu.vector_load_idx %arg5[%parallel_loop3A_315] : memref<32000xi32, #tpu.memory_space<vmem>>[vector<16xi32>], vector<16xi32>,
        %parallel_loop3A_317 = vector.bitcast %parallel_loop3A_316 : vector<16xi32> to vector<32xbf16>
        %parallel_loop3A_318 = arith.addf %parallel_loop3A_300, %parallel_loop3A_314 : vector<32xbf16>
        %parallel_loop3A_319 = arith.addf %parallel_loop3A_301, %parallel_loop3A_317 : vector<32xbf16>
        %parallel_loop3A_320 = arith.constant 0 : i32
        %parallel_loop3A_321 = vector.broadcast %parallel_loop3A_320 : i32 to vector<16xi32>
        %parallel_loop3A_322 = arith.cmpi slt, %broadcast_in_dim3A_26, %parallel_loop3A_321 : vector<16xi32>
        %parallel_loop3A_323 = arith.constant 16 : i32
        %parallel_loop3A_324 = vector.broadcast %parallel_loop3A_323 : i32 to vector<16xi32>
        %parallel_loop3A_325 = arith.addi %broadcast_in_dim3A_26, %parallel_loop3A_324 : vector<16xi32>
        %parallel_loop3A_326 = arith.select %parallel_loop3A_322, %parallel_loop3A_325, %broadcast_in_dim3A_26 : vector<16xi1>, vector<16xi32>
        %parallel_loop3A_327 = vector.shape_cast %parallel_loop3A_326 : vector<16xi32> to vector<16x1xi32>
        %parallel_loop3A_328 = vector.shape_cast %parallel_loop3A_327 : vector<16x1xi32> to vector<16xi32>
        %parallel_loop3A_329 = tpu.dynamic_gather %parallel_loop3A_123[%parallel_loop3A_328] in [0] : vector<16xi32>, vector<16xi32> -> vector<16xi32>
        %parallel_loop3A_330 = arith.addi %parallel_loop3A_329, %iota3A : vector<16xi32>
        %parallel_loop3A_331 = tpu.vector_load_idx %arg5[%parallel_loop3A_330] : memref<32000xi32, #tpu.memory_space<vmem>>[vector<16xi32>], vector<16xi32>,
        %parallel_loop3A_332 = vector.bitcast %parallel_loop3A_331 : vector<16xi32> to vector<32xbf16>
        %parallel_loop3A_333 = arith.addi %parallel_loop3A_329, %add3A_3 : vector<16xi32>
        %parallel_loop3A_334 = tpu.vector_load_idx %arg5[%parallel_loop3A_333] : memref<32000xi32, #tpu.memory_space<vmem>>[vector<16xi32>], vector<16xi32>,
        %parallel_loop3A_335 = vector.bitcast %parallel_loop3A_334 : vector<16xi32> to vector<32xbf16>
        %parallel_loop3A_336 = arith.addf %parallel_loop3A_318, %parallel_loop3A_332 : vector<32xbf16>
        %parallel_loop3A_337 = arith.addf %parallel_loop3A_319, %parallel_loop3A_335 : vector<32xbf16>
        %parallel_loop3A_338 = arith.constant 0 : i32
        %parallel_loop3A_339 = vector.broadcast %parallel_loop3A_338 : i32 to vector<16xi32>
        %parallel_loop3A_340 = arith.cmpi slt, %broadcast_in_dim3A_28, %parallel_loop3A_339 : vector<16xi32>
        %parallel_loop3A_341 = arith.constant 16 : i32
        %parallel_loop3A_342 = vector.broadcast %parallel_loop3A_341 : i32 to vector<16xi32>
        %parallel_loop3A_343 = arith.addi %broadcast_in_dim3A_28, %parallel_loop3A_342 : vector<16xi32>
        %parallel_loop3A_344 = arith.select %parallel_loop3A_340, %parallel_loop3A_343, %broadcast_in_dim3A_28 : vector<16xi1>, vector<16xi32>
        %parallel_loop3A_345 = vector.shape_cast %parallel_loop3A_344 : vector<16xi32> to vector<16x1xi32>
        %parallel_loop3A_346 = vector.shape_cast %parallel_loop3A_345 : vector<16x1xi32> to vector<16xi32>
        %parallel_loop3A_347 = tpu.dynamic_gather %parallel_loop3A_123[%parallel_loop3A_346] in [0] : vector<16xi32>, vector<16xi32> -> vector<16xi32>
        %parallel_loop3A_348 = arith.addi %parallel_loop3A_347, %iota3A : vector<16xi32>
        %parallel_loop3A_349 = tpu.vector_load_idx %arg5[%parallel_loop3A_348] : memref<32000xi32, #tpu.memory_space<vmem>>[vector<16xi32>], vector<16xi32>,
        %parallel_loop3A_350 = vector.bitcast %parallel_loop3A_349 : vector<16xi32> to vector<32xbf16>
        %parallel_loop3A_351 = arith.addi %parallel_loop3A_347, %add3A_3 : vector<16xi32>
        %parallel_loop3A_352 = tpu.vector_load_idx %arg5[%parallel_loop3A_351] : memref<32000xi32, #tpu.memory_space<vmem>>[vector<16xi32>], vector<16xi32>,
        %parallel_loop3A_353 = vector.bitcast %parallel_loop3A_352 : vector<16xi32> to vector<32xbf16>
        %parallel_loop3A_354 = arith.addf %parallel_loop3A_336, %parallel_loop3A_350 : vector<32xbf16>
        %parallel_loop3A_355 = arith.addf %parallel_loop3A_337, %parallel_loop3A_353 : vector<32xbf16>
        %parallel_loop3A_356 = arith.constant 0 : i32
        %parallel_loop3A_357 = vector.broadcast %parallel_loop3A_356 : i32 to vector<16xi32>
        %parallel_loop3A_358 = arith.cmpi slt, %broadcast_in_dim3A_30, %parallel_loop3A_357 : vector<16xi32>
        %parallel_loop3A_359 = arith.constant 16 : i32
        %parallel_loop3A_360 = vector.broadcast %parallel_loop3A_359 : i32 to vector<16xi32>
        %parallel_loop3A_361 = arith.addi %broadcast_in_dim3A_30, %parallel_loop3A_360 : vector<16xi32>
        %parallel_loop3A_362 = arith.select %parallel_loop3A_358, %parallel_loop3A_361, %broadcast_in_dim3A_30 : vector<16xi1>, vector<16xi32>
        %parallel_loop3A_363 = vector.shape_cast %parallel_loop3A_362 : vector<16xi32> to vector<16x1xi32>
        %parallel_loop3A_364 = vector.shape_cast %parallel_loop3A_363 : vector<16x1xi32> to vector<16xi32>
        %parallel_loop3A_365 = tpu.dynamic_gather %parallel_loop3A_123[%parallel_loop3A_364] in [0] : vector<16xi32>, vector<16xi32> -> vector<16xi32>
        %parallel_loop3A_366 = arith.addi %parallel_loop3A_365, %iota3A : vector<16xi32>
        %parallel_loop3A_367 = tpu.vector_load_idx %arg5[%parallel_loop3A_366] : memref<32000xi32, #tpu.memory_space<vmem>>[vector<16xi32>], vector<16xi32>,
        %parallel_loop3A_368 = vector.bitcast %parallel_loop3A_367 : vector<16xi32> to vector<32xbf16>
        %parallel_loop3A_369 = arith.addi %parallel_loop3A_365, %add3A_3 : vector<16xi32>
        %parallel_loop3A_370 = tpu.vector_load_idx %arg5[%parallel_loop3A_369] : memref<32000xi32, #tpu.memory_space<vmem>>[vector<16xi32>], vector<16xi32>,
        %parallel_loop3A_371 = vector.bitcast %parallel_loop3A_370 : vector<16xi32> to vector<32xbf16>
        %parallel_loop3A_372 = arith.addf %parallel_loop3A_354, %parallel_loop3A_368 : vector<32xbf16>
        %parallel_loop3A_373 = arith.addf %parallel_loop3A_355, %parallel_loop3A_371 : vector<32xbf16>
        %parallel_loop3A_374 = arith.constant 0 : i32
        %parallel_loop3A_375 = vector.broadcast %parallel_loop3A_374 : i32 to vector<16xi32>
        %parallel_loop3A_376 = arith.cmpi slt, %broadcast_in_dim3A_32, %parallel_loop3A_375 : vector<16xi32>
        %parallel_loop3A_377 = arith.constant 16 : i32
        %parallel_loop3A_378 = vector.broadcast %parallel_loop3A_377 : i32 to vector<16xi32>
        %parallel_loop3A_379 = arith.addi %broadcast_in_dim3A_32, %parallel_loop3A_378 : vector<16xi32>
        %parallel_loop3A_380 = arith.select %parallel_loop3A_376, %parallel_loop3A_379, %broadcast_in_dim3A_32 : vector<16xi1>, vector<16xi32>
        %parallel_loop3A_381 = vector.shape_cast %parallel_loop3A_380 : vector<16xi32> to vector<16x1xi32>
        %parallel_loop3A_382 = vector.shape_cast %parallel_loop3A_381 : vector<16x1xi32> to vector<16xi32>
        %parallel_loop3A_383 = tpu.dynamic_gather %parallel_loop3A_123[%parallel_loop3A_382] in [0] : vector<16xi32>, vector<16xi32> -> vector<16xi32>
        %parallel_loop3A_384 = arith.addi %parallel_loop3A_383, %iota3A : vector<16xi32>
        %parallel_loop3A_385 = tpu.vector_load_idx %arg5[%parallel_loop3A_384] : memref<32000xi32, #tpu.memory_space<vmem>>[vector<16xi32>], vector<16xi32>,
        %parallel_loop3A_386 = vector.bitcast %parallel_loop3A_385 : vector<16xi32> to vector<32xbf16>
        %parallel_loop3A_387 = arith.addi %parallel_loop3A_383, %add3A_3 : vector<16xi32>
        %parallel_loop3A_388 = tpu.vector_load_idx %arg5[%parallel_loop3A_387] : memref<32000xi32, #tpu.memory_space<vmem>>[vector<16xi32>], vector<16xi32>,
        %parallel_loop3A_389 = vector.bitcast %parallel_loop3A_388 : vector<16xi32> to vector<32xbf16>
        %parallel_loop3A_390 = arith.addf %parallel_loop3A_372, %parallel_loop3A_386 : vector<32xbf16>
        %parallel_loop3A_391 = arith.addf %parallel_loop3A_373, %parallel_loop3A_389 : vector<32xbf16>
        %parallel_loop3A_392 = arith.constant 0 : i32
        %parallel_loop3A_393 = vector.broadcast %parallel_loop3A_392 : i32 to vector<16xi32>
        %parallel_loop3A_394 = arith.cmpi slt, %broadcast_in_dim3A_34, %parallel_loop3A_393 : vector<16xi32>
        %parallel_loop3A_395 = arith.constant 16 : i32
        %parallel_loop3A_396 = vector.broadcast %parallel_loop3A_395 : i32 to vector<16xi32>
        %parallel_loop3A_397 = arith.addi %broadcast_in_dim3A_34, %parallel_loop3A_396 : vector<16xi32>
        %parallel_loop3A_398 = arith.select %parallel_loop3A_394, %parallel_loop3A_397, %broadcast_in_dim3A_34 : vector<16xi1>, vector<16xi32>
        %parallel_loop3A_399 = vector.shape_cast %parallel_loop3A_398 : vector<16xi32> to vector<16x1xi32>
        %parallel_loop3A_400 = vector.shape_cast %parallel_loop3A_399 : vector<16x1xi32> to vector<16xi32>
        %parallel_loop3A_401 = tpu.dynamic_gather %parallel_loop3A_123[%parallel_loop3A_400] in [0] : vector<16xi32>, vector<16xi32> -> vector<16xi32>
        %parallel_loop3A_402 = arith.addi %parallel_loop3A_401, %iota3A : vector<16xi32>
        %parallel_loop3A_403 = tpu.vector_load_idx %arg5[%parallel_loop3A_402] : memref<32000xi32, #tpu.memory_space<vmem>>[vector<16xi32>], vector<16xi32>,
        %parallel_loop3A_404 = vector.bitcast %parallel_loop3A_403 : vector<16xi32> to vector<32xbf16>
        %parallel_loop3A_405 = arith.addi %parallel_loop3A_401, %add3A_3 : vector<16xi32>
        %parallel_loop3A_406 = tpu.vector_load_idx %arg5[%parallel_loop3A_405] : memref<32000xi32, #tpu.memory_space<vmem>>[vector<16xi32>], vector<16xi32>,
        %parallel_loop3A_407 = vector.bitcast %parallel_loop3A_406 : vector<16xi32> to vector<32xbf16>
        %parallel_loop3A_408 = arith.addf %parallel_loop3A_390, %parallel_loop3A_404 : vector<32xbf16>
        %parallel_loop3A_409 = arith.addf %parallel_loop3A_391, %parallel_loop3A_407 : vector<32xbf16>
        %parallel_loop3A_410 = tpu.unpack_subelements %parallel_loop3A_408, 0 {pack_format = #tpu.pack_format<interleaved>} : vector<32xbf16> -> vector<16xf32>
        %parallel_loop3A_411 = tpu.unpack_subelements %parallel_loop3A_408, 1 {pack_format = #tpu.pack_format<interleaved>} : vector<32xbf16> -> vector<16xf32>
        %parallel_loop3A_412 = tpu.unpack_subelements %parallel_loop3A_409, 0 {pack_format = #tpu.pack_format<interleaved>} : vector<32xbf16> -> vector<16xf32>
        %parallel_loop3A_413 = tpu.unpack_subelements %parallel_loop3A_409, 1 {pack_format = #tpu.pack_format<interleaved>} : vector<32xbf16> -> vector<16xf32>
        %parallel_loop3A_414 = arith.constant 64 : i32
        %parallel_loop3A_415 = arith.muli %parallel_loop3A_116, %parallel_loop3A_414 : i32
        %parallel_loop3A_416 = arith.index_cast %parallel_loop3A_415 : i32 to index
        %parallel_loop3A_417 = tpu.vector_load %arg9[%parallel_loop3A_416] {strides = array<i32>} : memref<25600xf32, #tpu.memory_space<vmem>>, vector<16xf32>,
        tpu.vector_store %arg9[%parallel_loop3A_416], %parallel_loop3A_410 {strides = array<i32>} : memref<25600xf32, #tpu.memory_space<vmem>>, vector<16xf32>,
        %parallel_loop3A_418 = arith.constant 16 : i32
        %parallel_loop3A_419 = arith.addi %parallel_loop3A_415, %parallel_loop3A_418 : i32
        %parallel_loop3A_420 = arith.index_cast %parallel_loop3A_419 : i32 to index
        %parallel_loop3A_421 = tpu.vector_load %arg9[%parallel_loop3A_420] {strides = array<i32>} : memref<25600xf32, #tpu.memory_space<vmem>>, vector<16xf32>,
        tpu.vector_store %arg9[%parallel_loop3A_420], %parallel_loop3A_412 {strides = array<i32>} : memref<25600xf32, #tpu.memory_space<vmem>>, vector<16xf32>,
        %parallel_loop3A_422 = arith.constant 32 : i32
        %parallel_loop3A_423 = arith.addi %parallel_loop3A_415, %parallel_loop3A_422 : i32
        %parallel_loop3A_424 = arith.index_cast %parallel_loop3A_423 : i32 to index
        %parallel_loop3A_425 = tpu.vector_load %arg9[%parallel_loop3A_424] {strides = array<i32>} : memref<25600xf32, #tpu.memory_space<vmem>>, vector<16xf32>,
        tpu.vector_store %arg9[%parallel_loop3A_424], %parallel_loop3A_411 {strides = array<i32>} : memref<25600xf32, #tpu.memory_space<vmem>>, vector<16xf32>,
        %parallel_loop3A_426 = arith.constant 48 : i32
        %parallel_loop3A_427 = arith.addi %parallel_loop3A_415, %parallel_loop3A_426 : i32
        %parallel_loop3A_428 = arith.index_cast %parallel_loop3A_427 : i32 to index
        %parallel_loop3A_429 = tpu.vector_load %arg9[%parallel_loop3A_428] {strides = array<i32>} : memref<25600xf32, #tpu.memory_space<vmem>>, vector<16xf32>,
        tpu.vector_store %arg9[%parallel_loop3A_428], %parallel_loop3A_413 {strides = array<i32>} : memref<25600xf32, #tpu.memory_space<vmem>>, vector<16xf32>,
      } {sc.loop_unroll_factor = 1 : i64, sc.parallel_access}
      %mul3A_109 = arith.constant 400 : i32
      %mul3A_110 = arith.muli %add3A_64, %mul3A_109 : i32
      %add3A_111 = arith.addi %mul3A_36, %mul3A_110 : i32
      %mul3A_112 = arith.constant 64 : i32
      %mul3A_113 = arith.muli %add3A_111, %mul3A_112 : i32
      %dma_start3A_114 = tpu.memref_slice %arg4[%mul3A_113] : memref<13107200xf32, #tpu.memory_space<hbm>> -> memref<25600xf32, #tpu.memory_space<hbm>>
      %dma_start3A_115 = tpu.memref_slice %arg4[%mul3A_113] : memref<13107200xf32, #tpu.memory_space<hbm>> -> memref<25600xf32, #tpu.memory_space<hbm>>
      tpu.enqueue_dma source(%arg9 : memref<25600xf32, #tpu.memory_space<vmem>>) target(%dma_start3A_115 : memref<25600xf32, #tpu.memory_space<hbm>>) target_semaphore(%arg13 : memref<!tpu.dma_semaphore, #tpu.memory_space<semaphore_mem>>)
    }
    %scan3A_46 = arith.constant 8 : i32
    %add3A_47 = arith.constant 5600 : i32
    %add3A_48 = arith.addi %mul3A_36, %add3A_47 : i32
    %mul3A_49 = arith.constant 64 : i32
    %mul3A_50 = arith.muli %add3A_48, %mul3A_49 : i32
    %dma_wait3A = tpu.memref_slice %arg4[%mul3A_50] : memref<13107200xf32, #tpu.memory_space<hbm>> -> memref<25600xf32, #tpu.memory_space<hbm>>
    %dma_wait3A_51 = tpu.memref_slice %arg4[%mul3A_50] : memref<13107200xf32, #tpu.memory_space<hbm>> -> memref<25600xf32, #tpu.memory_space<hbm>>
    tpu.wait_dma2 semaphore(%arg12 : memref<!tpu.dma_semaphore, #tpu.memory_space<semaphore_mem>>) src(%arg8 : memref<25600xf32, #tpu.memory_space<vmem>>) dst(%dma_wait3A_51 : memref<25600xf32, #tpu.memory_space<hbm>>)
    %add3A_52 = arith.constant 6000 : i32
    %add3A_53 = arith.addi %mul3A_36, %add3A_52 : i32
    %mul3A_54 = arith.constant 64 : i32
    %mul3A_55 = arith.muli %add3A_53, %mul3A_54 : i32
    %dma_wait3A_56 = tpu.memref_slice %arg4[%mul3A_55] : memref<13107200xf32, #tpu.memory_space<hbm>> -> memref<25600xf32, #tpu.memory_space<hbm>>
    %dma_wait3A_57 = tpu.memref_slice %arg4[%mul3A_55] : memref<13107200xf32, #tpu.memory_space<hbm>> -> memref<25600xf32, #tpu.memory_space<hbm>>
    tpu.wait_dma2 semaphore(%arg13 : memref<!tpu.dma_semaphore, #tpu.memory_space<semaphore_mem>>) src(%arg9 : memref<25600xf32, #tpu.memory_space<vmem>>) dst(%dma_wait3A_57 : memref<25600xf32, #tpu.memory_space<hbm>>)
    return
  }
}

</mosaic_0001>

<sc_bundles>
// kernel: _char_embed_sc.3.cloned.1.call-start
scs
__scs_entry_jumppad:
0x0: {  	(pc) =	sbr.rel $0x88, $3  }
0x1: {  	(tag) =	ssettag $0x0;
	lr =	simm.s32 $0x1  }
0x2: {  	[smem:$0x3F9F] =	sst lr;
	_ =	strace $0xD0000000  }
0x3: {  	_ = 	snop  }
0x4: {  	_ = 	snop  }
0x5: {  	_ = 	snop  }
0x6: {  	_ = 	snop  }
0x7: {  	_ = 	snop  }
__scs_overlays_trampoline_lowered:
0x8: {  	[smem:$0x3FAE] =	sst s0  }
0x9: {  	[smem:$0x3FAF] =	sst s1  }
0xa: {  	[smem:$0x3FB0] =	sst s2  }
0xb: {  	[smem:$0x3FB1] =	sst s3  }
0xc: {  	[smem:$0x3FB2] =	sst s4  }
0xd: {  	[smem:$0x3FB3] =	sst s5  }
0xe: {  	[smem:$0x3FB4] =	sst s6  }
0xf: {  	[smem:$0x3FB5] =	sst s7  }
0x10: {  	[smem:$0x3FB6] =	sst s8  }
0x11: {  	[smem:$0x3FB7] =	sst s9;
	s0 =	simm.s32 @!p0 $0x0  }
0x12: {  	s1 =	sld [smem:$0x3F9D];
	s0 =	simm.s32 @p0 $0x1  }
0x13: {  	[smem:$0x3FB8] =	sst s0;
	s0 =	simm.s32 @!p1 $0x0  }
0x14: {  	s2 =	sld [smem:$0x3F9C];
	s0 =	simm.s32 @p1 $0x1  }
0x15: {  	[smem:$0x3FB9] =	sst s0;
	s0 =	simm.s32 @!p2 $0x0  }
0x16: {  	s3 =	sld [smem:$0x3FDB];
	s0 =	simm.s32 @p2 $0x1  }
0x17: {  	s4 =	simm.s32 $0x1BF5;
	[smem:$0x3FBB] =	sst s0  }
0x18: {  	s0 =	sld [smem:$0x3F9E];
	_ =	swait.ge [sflag:s4], $0x0  }
0x19: {  	s7 =	sld [smem:$0x3F9F]  }
0x1a: {  	s8 =	sadd.s32 $0xFFFFE003, lr  }
0x1b: {  	s9 =	sadd.s32 $0xFFFFFEF7, lr;
	s5 =	simm.s32 $0xFFFFFFFF;
	p2 =	slt.u32 s8, $0xFFFFF086  }
0x1c: {  	p1 =	slt.u32 s9, $0xF7A;
	s5 =	simm.s32 @!p2 $0x0  }
0x1d: {  	s5 =	simm.s32 @p1 $0x1;
	p0 =	seq.s32 s7, s2  }
0x1e: {  	s7 =	smul.u32 @!p0 $0xF7A, s2;
	p2 =	seq.s32 @!p0 s5, $0x0  }
0x1f: {  	s9 =	smul.u32 $0xF7A, s1;
	s8 =	simm.s32 @!p0 $0x1BF5;
	p2 =	por !p2, p0  }
0x20: {  	[sflag:s8] =	ssyncset.s32 @!p0 $0xFFFFF086;
	s6 =	sadd.s32 @!p0 s3, s7;
	s7 =	simm.s32 @!p0 $0x108  }
0x21: {  	s3 =	sadd.s32 s3, s9;
	s6 =	sadd.s32 @!p0 $0x88, s6;
	s7 =	simm.s32 @p2 $0x1082  }
0x22: {  	[simem:s7], [sflag:s8] =	dma.local @!p0 [hbm:s6], $0xF7A  }
0x23: {  	s9 =	sor.u32 $0xD0000000, s2;
	s6 =	simm.s32 $0x108;
	_ =	swait.ge @!p0 [sflag:s8], $0x0  }
0x24: {  	s3 =	sadd.s32 $0x88, s3;
	s6 =	simm.s32 @!p1 $0x1082;
	[sflag:s4] =	ssyncset.s32 $0xFFFFF086  }
0x25: {  	[simem:s6], [sflag:s4] =	dma.local [hbm:s3], $0xF7A  }
0x26: {  	[smem:$0x3F9F] =	sst s1;
	(tag) =	ssettag s2;
	_ =	strace s9  }
0x27: {  	s1 =	sld [smem:$0x3FAF]  }
0x28: {  	s2 =	sld [smem:$0x3FB0]  }
0x29: {  	s4 =	sld [smem:$0x3FB2]  }
0x2a: {  	p0 =	seq.s32 s5, $0x0;
	s5 =	sld [smem:$0x3FB3]  }
0x2b: {  	s6 =	sld [smem:$0x3FB4]  }
0x2c: {  	s7 =	sld [smem:$0x3FB5]  }
0x2d: {  	s3 =	simm.s32 $0x108;
	s8 =	sld [smem:$0x3FB6]  }
0x2e: {  	s3 =	simm.s32 @!p0 $0x1082;
	s9 =	sld [smem:$0x3FB7]  }
0x2f: {  	lr =	sadd.s32 s0, s3;
	s0 =	sld [smem:$0x3FAE]  }
0x30: {  	s3 =	sld [smem:$0x3FB1]  }
0x31: {  	[smem:$0x3FBA] =	sst s10  }
0x32: {  	s10 =	sld [smem:$0x3FB8];
	_ =	sdelay $0x3  }
0x33: {  	p0 =	seq.s32 s10, $0x1;
	s10 =	sld [smem:$0x3FBA];
	_ =	sdelay $0x3  }
0x34: {  	[smem:$0x3FBA] =	sst s10  }
0x35: {  	s10 =	sld [smem:$0x3FB9];
	_ =	sdelay $0x3  }
0x36: {  	p1 =	seq.s32 s10, $0x1;
	s10 =	sld [smem:$0x3FBA];
	_ =	sdelay $0x3  }
0x37: {  	[smem:$0x3FBA] =	sst s10  }
0x38: {  	s10 =	sld [smem:$0x3FBB]  }
0x39: {  	_ = 	snop;
	(pc) =	sbr.ind lr, $3  }
0x3a: {  	_ = 	snop  }
0x3b: {  	_ = 	snop  }
0x3c: {  	p2 =	seq.s32 s10, $0x1;
	s10 =	sld [smem:$0x3FBA]  }
0x3d: {  	_ =	shalt  }
0x3e: {  	_ =	shalt  }
0x3f: {  	_ =	shalt  }
0x40: {  	_ =	shalt  }
0x41: {  	_ =	shalt  }
0x42: {  	_ =	shalt  }
0x43: {  	_ =	shalt  }
0x44: {  	_ =	shalt  }
0x45: {  	_ =	shalt  }
0x46: {  	_ =	shalt  }
0x47: {  	_ =	shalt  }
0x48: {  	_ =	shalt  }
0x49: {  	_ =	shalt  }
0x4a: {  	_ =	shalt  }
0x4b: {  	_ =	shalt  }
0x4c: {  	_ =	shalt  }
0x4d: {  	_ =	shalt  }
0x4e: {  	_ =	shalt  }
0x4f: {  	_ =	shalt  }
0x50: {  	_ =	shalt  }
0x51: {  	_ =	shalt  }
0x52: {  	_ =	shalt  }
0x53: {  	_ =	shalt  }
0x54: {  	_ =	shalt  }
0x55: {  	_ =	shalt  }
0x56: {  	_ =	shalt  }
0x57: {  	_ =	shalt  }
0x58: {  	_ =	shalt  }
0x59: {  	_ =	shalt  }
0x5a: {  	_ =	shalt  }
0x5b: {  	_ =	shalt  }
0x5c: {  	_ =	shalt  }
0x5d: {  	_ =	shalt  }
0x5e: {  	_ =	shalt  }
0x5f: {  	_ =	shalt  }
0x60: {  	_ =	shalt  }
0x61: {  	_ =	shalt  }
0x62: {  	_ =	shalt  }
0x63: {  	_ =	shalt  }
0x64: {  	_ =	shalt  }
0x65: {  	_ =	shalt  }
0x66: {  	_ =	shalt  }
0x67: {  	_ =	shalt  }
0x68: {  	_ =	shalt  }
0x69: {  	_ =	shalt  }
0x6a: {  	_ =	shalt  }
0x6b: {  	_ =	shalt  }
0x6c: {  	_ =	shalt  }
0x6d: {  	_ =	shalt  }
0x6e: {  	_ =	shalt  }
0x6f: {  	_ =	shalt  }
0x70: {  	_ =	shalt  }
0x71: {  	_ =	shalt  }
0x72: {  	_ =	shalt  }
0x73: {  	_ =	shalt  }
0x74: {  	_ =	shalt  }
0x75: {  	_ =	shalt  }
0x76: {  	_ =	shalt  }
0x77: {  	_ =	shalt  }
0x78: {  	_ =	shalt  }
0x79: {  	_ =	shalt  }
0x7a: {  	_ =	shalt  }
0x7b: {  	_ =	shalt  }
0x7c: {  	_ =	shalt  }
0x7d: {  	_ =	shalt  }
0x7e: {  	_ =	shalt  }
0x7f: {  	_ =	shalt  }
0x80: {  	_ =	shalt  }
0x81: {  	_ =	shalt  }
0x82: {  	_ =	shalt  }
0x83: {  	_ =	shalt  }
0x84: {  	_ =	shalt  }
0x85: {  	_ =	shalt  }
0x86: {  	_ =	shalt  }
0x87: {  	_ =	shalt  }
.Lfunc_end0:
.L_simem_size_0:
called_computation_lowered:
.L_overlay_start_0:
0x88: {  	s2 =	sld [smem:$0x3FD9]  }
0x89: {  	s3 =	sld [smem:$0x3FFE];
	_ =	sdelay $0x1  }
0x8a: {  	s1 =	srdreg.scid  }
0x8b: {  	s0 =	sand.u32 $0x1, s1  }
0x8c: {  	s18 =	sshll.u32 s0, $0xA;
	s2 =	sadd.s32 s3, s2  }
0x8d: {  	s2 =	sadd.s32 s2, s18  }
0x8e: {  	[smem:$0x3FC6] =	sst s2  }
0x8f: {  	_ = 	snop  }
0x90: {  	s2 =	sld [smem:$0x3FC9]  }
0x91: {  	s19 =	sld [smem:$0x3FC8]  }
0x92: {  	s4 =	sld [smem:$0x3FD0];
	(tm) =	ssettm $0x1  }
0x93: {  	s5 =	sld [smem:$0x3FFB];
	_ =	sdelay $0x3  }
0x94: {  	_ =	strace s5  }
0x95: {  	s5 =	sld [smem:$0x3FFC];
	_ =	sdelay $0x3  }
0x96: {  	_ =	strace s5  }
0x97: {  	s5 =	sld [smem:$0x3FFD];
	_ =	sdelay $0x3  }
0x98: {  	_ =	strace s5  }
0x99: {  	_ =	strace $0x8FFFFFFF  }
0x9a: {  	s20 =	sld [smem:$0x3FDB];
	_ =	sdelay $0x1  }
0x9b: {  	s6 =	simm.s32 $_scs_section_size  }
0x9c: {  	s7 =	simm.s32 $_size__tile_overlayer_lowered;
	s8 =	simm.s32 $_tile_overlayer_lowered  }
0x9d: {  	s23 =	simm.s32 $0x1BFF;
	s22 =	sshll.u32 s8, $0x1;
	s5 =	sadd.s32 s6, s20  }
0x9e: {  	s9 =	simm.s32 $0x0;
	s21 =	sshll.u32 s7, $0x1;
	s7 =	sadd.s32 s22, s5  }
0x9f: {  	[timem:s9], [sflag:s23] =	dma.local [hbm:s7], s21  }
0xa0: {  	_ =	swait.ge [sflag:s23], s21  }
0xa1: {  	s6 =	ssub.s32 $0x0, s21;
	[sflag:s23] =	ssyncset.done $0x0  }
0xa2: {  	[sflag:s23] =	ssyncadd.s32 s6;
	_ =	sdelay $0x1  }
0xa3: {  	s24 =	simm.s32 $0x1B8B  }
0xa4: {  	_ =	swait.ge [sflag:s24], $0x1  }
0xa5: {  	[sflag:s24] =	ssyncset.done $0x0  }
0xa6: {  	s25 =	simm.s32 $0x1B8E;
	[sflag:s24] =	ssyncadd.s32 $0xFFFFFFFF  }
0xa7: {  	s26 =	simm.s32 $execute0_lowered;
	[smem:$0x3FD2] =	sst s25  }
0xa8: {  	s6 =	sshll.u32 s26, $0x1;
	_ =	strace $0x80000046;
	[dreg:$0x1] =	wrdreg $0xFFFFFFFF  }
0xa9: {  	s28 =	simm.s32 $_size_execute0_lowered;
	s5 =	sadd.s32 s5, s6;
	[dreg:$0x0] =	wrdreg $0x0  }
0xaa: {  	s6 =	sshll.u32 s28, $0x1;
	[dreg:$0x2] =	wrdreg s5  }
0xab: {  	[dreg:$0x3] =	wrdreg s6  }
0xac: {  	[dreg:$0x4] =	wrdreg $0xC0  }
0xad: {  	_ =	task [dreg:s9], $0x5FFFF  }
0xae: {  	[dreg:$0x1] =	wrdreg $0xFFFFFFFF  }
0xaf: {  	[dreg:$0x0] =	wrdreg $0x60  }
0xb0: {  	[dreg:$0x2] =	wrdreg s2  }
0xb1: {  	[dreg:$0x3] =	wrdreg s19  }
0xb2: {  	[dreg:$0x4] =	wrdreg s4  }
0xb3: {  	[dreg:$0x5] =	wrdreg $0x9  }
0xb4: {  	_ =	task.clear_ibuf [dreg:s9], $0x6FFFF;
	_ =	strace $0x90000046  }
0xb5: {  	s29 =	simm.s32 $0x9;
	_ =	strace $0x80000048  }
0xb6: {  	_ =	swait.ge [sflag:s29], $0x1  }
0xb7: {  	[sflag:s29] =	ssyncadd.s32 $0xFFFFFFFF  }
0xb8: {  	_ =	strace $0x90000048  }
0xb9: {  	_ =	sfence  }
0xba: {  	s30 =	sld [smem:$0x0];
	_ =	sdelay $0x2  }
0xbb: {  	s31 =	sshll.u32 s1, $0xD;
	s1 =	sshrl.u32 s1, $0x2  }
0xbc: {  	s3 =	sand.u32 $0x4000, s31;
	s1 =	sadd.s32 s1, s30  }
0xbd: {  	s0 =	sor.u32 s3, s0;
	s1 =	sshll.u32 s1, $0x11  }
0xbe: {  	s0 =	sor.u32 s1, s0  }
0xbf: {  	s0 =	sadd.s32 $0x8F2B, s0  }
0xc0: {  	[sflag:s0] =	ssyncadd.remote.s32 $0x1  }
0xc1: {  	_ =	sfence.sel $0xFFFF  }
0xc2: {  	[dreg:$0x0] =	wrdreg $0xFFFFFFFF;
	(pc) =	sbr.abs _section_cstart, $3  }
0xc3: {  	[dreg:$0x1] =	wrdreg $0xFFFFFFFF  }
0xc4: {  	_ =	task.clear_ibuf [dreg:s9], $0x2FFFF;
	_ =	strace $0x9FFFFFFF  }
0xc5: {  	(tm) =	ssettm $0x7FFFFFFF  }
tec
execute0_lowered:
.L_overlay_start_1:
0x0: {  	(tag) =	ssettag $0x1  }
0x1: {  	s1 =	rddreg [dreg:$0x0];
	s2 =	srdreg.scid  }
0x2: {  	s0 =	stileid.u32;
	s3 =	rddreg [dreg:$0x1]  }
0x3: {  	s4 =	rddreg [dreg:$0x2];
	s5 =	simm.s32 $0x0;
	s11 =	simm.s32 $0x5  }
0x4: {  	s12 =	simm.s32 $0x7D00;
	s13 =	simm.s32 $0x9600;
	s14 =	simm.s32 $0x1  }
0x5: {  	s15 =	simm.s32 $0xAF00;
	s7 =	sand.u32 $0x1, s2;
	s31 =	sshll.u32 s0, $0x1  }
0x6: {  	v0 =	vimm.s32 $0x5;
	v1 =	vimm.s32 $0x0;
	v2 =	vlaneseq.u32;
	s16 =	simm.s32 $0x2;
	s17 =	simm.s32 $0x4;
	s8 =	sor.u32 s7, s31  }
0x7: {  	v4 =	vimm.s32 $0x1;
	v5 =	vimm.s32 $0x2;
	v6 =	vimm.s32 $0x3;
	s18 =	simm.s32 $0x11300;
	s19 =	simm.s32 $0x3;
	s6 =	smul.u32 $0x1900, s8  }
0x8: {  	v7 =	vimm.s32 $0x4;
	v8 =	vimm.s32 $0x6;
	v9 =	vimm.s32 $0x7;
	s2 =	rddreg [dreg:$0x3];
	s7 =	ssub.s32 $0x2, s7;
	s8 =	smul.u32 $0x3200, s8  }
0x9: {  	v10 =	vimm.s32 $0x8;
	v11 =	vimm.s32 $0x9;
	v12 =	vimm.s32 $0xA;
	s20 =	simm.s32 $0x0;
	[smem:$0x7FF] =	sst s5;
	s9 =	sshrl.u32 s7, $0x1  }
0xa: {  	v13 =	vimm.s32 $0xB;
	v14 =	vimm.s32 $0xC;
	v15 =	vimm.s32 $0xD;
	_ =	strace $0x80000047;
	s10 =	ssub.s32 s7, s9;
	s7 =	sadd.s32 s1, s8  }
0xb: {  	v16 =	vimm.s32 $0xE;
	v17 =	vimm.s32 $0xF;
	v3 =	vor.u32 $0x10, v2;
	s8 =	sadd.s32 $0x190, s6;
	s9 =	sadd.s32 $0x320, s6;
	s10 =	smax.u32 s10, $0x1  }
.LBB2_1:
0xc: {  	[tilespmem:s5], [sflag:$0x5] =	stream.linear.gather [hbm4b:s3+s5], $0x7D00, $0x38;
	[tilespmem:$0x17700] =	vst v63  }
0xd: {  	_ =	swait.ge [sflag:s11], $0x7D00  }
0xe: {  	[sflag:s11] =	ssyncset.done $0x0  }
0xf: {  	s21 =	simm.s32 $0x0;
	[sflag:s11] =	ssyncadd.s32 $0xFFFF8300  }
0x10: {  	[tilespmem:s12], [sflag:$0x1] =	stream.linear.gather [hbm4b:s7+s5], $0x1900, $0x38;
	[tilespmem:$0x17700] =	vst v63  }
.LBB2_2:
0x11: {  	s23 =	smul.u32 $0x320, s21;
	_ =	sdelay $0x1  }
0x12: {  	s22 =	sadd.s32 s23, s8  }
0x13: {  	s24 =	sshll.u32 s22, $0x1  }
0x14: {  	s24 =	sand.u32 $0x1FFFFFE0, s24  }
0x15: {  	s24 =	sadd.s32 s1, s24  }
0x16: {  	[tilespmem:s13], [sflag:$0x2] =	stream.linear.gather [hbm4b:s24+s5], $0x1900, $0x38;
	[tilespmem:$0x17700] =	vst v63  }
0x17: {  	_ =	swait.ge [sflag:s14], $0x1900  }
0x18: {  	p0 =	seq.s32 s21, $0x0;
	[sflag:s14] =	ssyncset.done $0x0  }
0x19: {  	s24 =	simm.s32 @!p0 $0x3;
	[sflag:s14] =	ssyncadd.s32 $0xFFFFE700  }
0x1a: {  	_ =	swait.ge @!p0 [sflag:s24], $0x6400  }
0x1b: {  	[sflag:s24] =	ssyncset.done @!p0 $0x0  }
0x1c: {  	s29 =	simm.s32 $0x0;
	[sflag:s24] =	ssyncadd.s32 @!p0 $0xFFFF9C00  }
0x1d: {  	v18 =	vld [tilespmem:s29+$0x7D00];
	_ =	sdelay $0x4  }
0x1e: {  	v20 =	vshll.u32 v18, $0x5  }
0x1f: {  	v22 =	vperm.xlane v20, v6  }
0x20: {  	v23 =	vperm.xlane v20, v1  }
0x21: {  	v27 =	vperm.xlane v20, v4;
	v18 =	vadd.s32 v3, v22  }
0x22: {  	v32 =	vperm.xlane v20, v5;
	v19 =	vadd.s32 v3, v23  }
0x23: {  	v29 =	vperm.xlane v20, v0;
	v21 =	vadd.s32 v3, v27  }
0x24: {  	s30 =	simm.s32 $0x10;
	v33 =	vperm.xlane v20, v8;
	v24 =	vadd.s32 v3, v32  }
0x25: {  	v35 =	vld [tilespmem:s30+$0x7D00];
	v37 =	vperm.xlane v20, v9;
	v31 =	vadd.s32 v3, v29  }
0x26: {  	v34 =	vperm.xlane v20, v16;
	v36 =	vadd.s32 v3, v33;
	v28 =	vld.idx.msk [tilespmem:v18+s5+$0x0], $0xffff  }
0x27: {  	v41 =	vperm.xlane v20, v10;
	v40 =	vadd.s32 v3, v37;
	v30 =	vld.idx.msk [tilespmem:v19+s5+$0x0], $0xffff  }
0x28: {  	v44 =	vperm.xlane v20, v11;
	v39 =	vadd.s32 v2, v34;
	v34 =	vadd.s32 v3, v34;
	v21 =	vld.idx.msk [tilespmem:v21+s5+$0x0], $0xffff  }
0x29: {  	v49 =	vperm.xlane v20, v13;
	v43 =	vadd.s32 v3, v41;
	v24 =	vld.idx.msk [tilespmem:v24+s5+$0x0], $0xffff  }
0x2a: {  	v46 =	vadd.s32 v3, v44;
	v31 =	vld.idx.msk [tilespmem:v31+s5+$0x0], $0xffff  }
0x2b: {  	v51 =	vadd.s32 v3, v49;
	v36 =	vld.idx.msk [tilespmem:v36+s5+$0x0], $0xffff  }
0x2c: {  	v26 =	vperm.xlane v20, v7;
	v60 =	vadd.s32 v2, v41;
	v55 =	vld.idx.msk [tilespmem:v40+s5+$0x0], $0xffff  }
0x2d: {  	v25 =	vperm.xlane v20, v17;
	v62 =	vadd.s32 v2, v29;
	v50 =	vld.idx.msk [tilespmem:v34+s5+$0x0], $0xffff  }
0x2e: {  	v63 =	vadd.s32 v2, v26;
	v43 =	vld.idx.msk [tilespmem:v43+s5+$0x0], $0xffff  }
0x2f: {  	v19 =	vadd.s32 v2, v25;
	v25 =	vadd.s32 v3, v25;
	v46 =	vld.idx.msk [tilespmem:v46+s5+$0x0], $0xffff  }
0x30: {  	v18 =	vadd.s32 v3, v26;
	v41 =	vld.idx.msk [tilespmem:v51+s5+$0x0], $0xffff  }
0x31: {  	v32 =	vadd.s32 v2, v32;
	v26 =	vld.idx.msk [tilespmem:v60+s5+$0x0], $0xffff  }
0x32: {  	v42 =	vperm.xlane v20, v15;
	v52 =	vld.idx.msk [tilespmem:v62+s5+$0x0], $0xffff  }
0x33: {  	v51 =	vld.idx.msk [tilespmem:v63+s5+$0x0], $0xffff  }
0x34: {  	v47 =	vperm.xlane v20, v12;
	v45 =	vld.idx.msk [tilespmem:v25+s5+$0x0], $0xffff;
	v25 =	vadd.s32 v2, v42;
	v21 =	vadd.bf16 v21, v30  }
0x35: {  	v38 =	vld.idx.msk [tilespmem:v18+s5+$0x0], $0xffff;
	v42 =	vadd.s32 v3, v42  }
0x36: {  	v57 =	vperm.xlane v20, v14;
	v48 =	vadd.s32 v3, v47;
	v32 =	vld.idx.msk [tilespmem:v32+s5+$0x0], $0xffff;
	v24 =	vadd.bf16 v24, v21  }
0x37: {  	v18 =	vld.idx.msk [tilespmem:v19+s5+$0x0], $0xffff;
	v30 =	vadd.s32 v2, v49  }
0x38: {  	v58 =	vadd.s32 v2, v57;
	v19 =	vld.idx.msk [tilespmem:v39+s5+$0x0], $0xffff;
	v24 =	vadd.bf16 v28, v24  }
0x39: {  	v61 =	vadd.s32 v2, v33;
	v20 =	vld.idx.msk [tilespmem:v25+s5+$0x0], $0xffff  }
0x3a: {  	v25 =	vadd.s32 v3, v57;
	v49 =	vld.idx.msk [tilespmem:v42+s5+$0x0], $0xffff;
	v28 =	vadd.bf16 v38, v24  }
0x3b: {  	v59 =	vadd.s32 v2, v47;
	v42 =	vld.idx.msk [tilespmem:v48+s5+$0x0], $0xffff;
	v48 =	vshll.u32 v35, $0x5  }
0x3c: {  	v44 =	vadd.s32 v2, v44;
	v24 =	vld.idx.msk [tilespmem:v30+s5+$0x0], $0xffff;
	v29 =	vperm.xlane v48, v1;
	v30 =	vadd.bf16 v31, v28  }
0x3d: {  	v37 =	vadd.s32 v2, v37;
	v21 =	vld.idx.msk [tilespmem:v58+s5+$0x0], $0xffff  }
0x3e: {  	v35 =	vld.idx.msk [tilespmem:v61+s5+$0x0], $0xffff;
	v58 =	vadd.s32 v3, v29;
	v56 =	vadd.bf16 v36, v30;
	v30 =	vperm.xlane v48, v4  }
0x3f: {  	v22 =	vadd.s32 v2, v22;
	v33 =	vperm.xlane v48, v6;
	v47 =	vld.idx.msk [tilespmem:v25+s5+$0x0], $0xffff  }
0x40: {  	v34 =	vperm.xlane v48, v5;
	v25 =	vld.idx.msk [tilespmem:v59+s5+$0x0], $0xffff;
	v59 =	vadd.bf16 v55, v56;
	v60 =	vadd.s32 v3, v30  }
0x41: {  	v28 =	vld.idx.msk [tilespmem:v44+s5+$0x0], $0xffff;
	v57 =	vadd.s32 v3, v33  }
0x42: {  	v31 =	vld.idx.msk [tilespmem:v37+s5+$0x0], $0xffff;
	v61 =	vadd.s32 v3, v34;
	v38 =	vadd.bf16 v43, v59  }
0x43: {  	v27 =	vadd.s32 v2, v27;
	v62 =	vld.idx.msk [tilespmem:v58+s5+$0x0], $0xffff  }
0x44: {  	v37 =	vperm.xlane v48, v7;
	v43 =	vld.idx.msk [tilespmem:v22+s5+$0x0], $0xffff;
	v22 =	vadd.s32 v2, v23;
	v23 =	vadd.bf16 v46, v38  }
0x45: {  	v63 =	vperm.xlane v48, v17;
	v39 =	vld.idx.msk [tilespmem:v60+s5+$0x0], $0xffff  }
0x46: {  	v53 =	vadd.s32 v3, v37;
	v36 =	vld.idx.msk [tilespmem:v57+s5+$0x0], $0xffff;
	v38 =	vperm.xlane v48, v0;
	v23 =	vadd.bf16 v42, v23  }
0x47: {  	v55 =	vadd.s32 v2, v63;
	v54 =	vld.idx.msk [tilespmem:v61+s5+$0x0], $0xffff  }
0x48: {  	v40 =	vperm.xlane v48, v8;
	v59 =	vld.idx.msk [tilespmem:v27+s5+$0x0], $0xffff;
	v56 =	vadd.s32 v3, v38;
	v23 =	vadd.bf16 v41, v23  }
0x49: {  	s31 =	simm.s32 $0x20;
	v58 =	vperm.xlane v48, v16;
	v46 =	vadd.s32 v3, v63;
	v42 =	vperm.xlane v48, v9;
	v57 =	vld.idx.msk [tilespmem:v22+s5+$0x0], $0xffff  }
0x4a: {  	v41 =	vld [tilespmem:s31+$0x7D00];
	v22 =	vadd.bf16 v47, v23;
	v23 =	vadd.s32 v3, v40;
	v27 =	vadd.bf16 v39, v62  }
0x4b: {  	v44 =	vperm.xlane v48, v10;
	v39 =	vld.idx.msk [tilespmem:v53+s5+$0x0], $0xffff;
	v47 =	vadd.s32 v2, v58  }
0x4c: {  	v53 =	vadd.s32 v3, v42;
	v49 =	vadd.bf16 v49, v22;
	v22 =	vld.idx.msk [tilespmem:v55+s5+$0x0], $0xffff;
	v54 =	vadd.bf16 v54, v27  }
0x4d: {  	v58 =	vadd.s32 v3, v58;
	v55 =	vld.idx.msk [tilespmem:v56+s5+$0x0], $0xffff;
	v56 =	vperm.xlane v48, v15  }
0x4e: {  	v61 =	vperm.xlane v48, v11;
	v60 =	vadd.s32 v3, v44;
	v27 =	vld.idx.msk [tilespmem:v46+s5+$0x0], $0xffff;
	v36 =	vadd.bf16 v36, v54  }
0x4f: {  	v46 =	vadd.bf16 v50, v49;
	v50 =	vadd.s32 v2, v56;
	v54 =	vadd.bf16 v59, v57;
	v49 =	vld.idx.msk [tilespmem:v23+s5+$0x0], $0xffff  }
0x50: {  	v57 =	vadd.s32 v3, v61;
	v59 =	vperm.xlane v48, v12;
	v23 =	vld.idx.msk [tilespmem:v47+s5+$0x0], $0xffff;
	v36 =	vadd.bf16 v39, v36  }
0x51: {  	v62 =	vperm.xlane v48, v14;
	v56 =	vadd.s32 v3, v56;
	v53 =	vld.idx.msk [tilespmem:v53+s5+$0x0], $0xffff;
	v32 =	vadd.bf16 v32, v54  }
0x52: {  	v48 =	vperm.xlane v48, v13;
	v63 =	vadd.s32 v3, v59;
	v39 =	vld.idx.msk [tilespmem:v58+s5+$0x0], $0xffff;
	v36 =	vadd.bf16 v55, v36  }
0x53: {  	v46 =	vadd.bf16 v45, v46;
	v45 =	vld.idx.msk [tilespmem:v60+s5+$0x0], $0xffff;
	v55 =	vadd.s32 v2, v62;
	v54 =	vadd.bf16 v43, v32  }
0x54: {  	v32 =	vld.idx.msk [tilespmem:v50+s5+$0x0], $0xffff;
	v36 =	vadd.bf16 v49, v36;
	v49 =	vadd.s32 v3, v48  }
0x55: {  	v47 =	vld.idx.msk [tilespmem:v57+s5+$0x0], $0xffff;
	v60 =	vadd.bf16 v51, v54;
	v54 =	vadd.s32 v3, v62  }
0x56: {  	s25 =	simm.s32 $0xAF20;
	v58 =	vunpack.i.u.bf16.f32 v46;
	v46 =	vunpack.i.l.bf16.f32 v46;
	v43 =	vld.idx.msk [tilespmem:v56+s5+$0x0], $0xffff;
	v50 =	vadd.s32 v2, v48  }
0x57: {  	[tilespmem:s25+$0xFFFFFFF0] =	vst v46;
	v46 =	vld.idx.msk [tilespmem:v63+s5+$0x0], $0xffff;
	v48 =	vadd.bf16 v53, v36;
	v53 =	vadd.s32 v2, v59  }
0x58: {  	s28 =	simm.s32 $0xC0;
	s26 =	simm.s32 $0xAF20;
	s24 =	sadd.s32 s6, s23;
	[tilespmem:s25+$0x10] =	vst v58;
	v51 =	vadd.s32 v2, v61;
	v52 =	vadd.bf16 v52, v60;
	v36 =	vld.idx.msk [tilespmem:v55+s5+$0x0], $0xffff  }
.LBB2_3:
0x59: {  	p1 =	sne.s32 s28, $0x63C0;
	v44 =	vadd.s32 v2, v44;
	v45 =	vadd.bf16 v45, v48;
	v48 =	vld.idx.msk [tilespmem:v49+s5+$0x0], $0xffff  }
0x5a: {  	v42 =	vadd.s32 v2, v42;
	v49 =	vld.idx.msk [tilespmem:v54+s5+$0x0], $0xffff;
	v35 =	vadd.bf16 v35, v52  }
0x5b: {  	v40 =	vadd.s32 v2, v40;
	v45 =	vadd.bf16 v47, v45;
	v47 =	vld.idx.msk [tilespmem:v50+s5+$0x0], $0xffff  }
0x5c: {  	v38 =	vadd.s32 v2, v38;
	v50 =	vshll.u32 v41, $0x5;
	v41 =	vld.idx.msk [tilespmem:v53+s5+$0x0], $0xffff;
	v31 =	vadd.bf16 v31, v35  }
0x5d: {  	v37 =	vadd.s32 v2, v37;
	v52 =	vperm.xlane v50, v6;
	v51 =	vld.idx.msk [tilespmem:v51+s5+$0x0], $0xffff;
	v35 =	vadd.bf16 v46, v45  }
0x5e: {  	v45 =	vperm.xlane v50, v1;
	v46 =	vadd.s32 v2, v33;
	v54 =	vadd.bf16 v26, v31;
	v26 =	vld.idx.msk [tilespmem:v44+s5+$0x0], $0xffff  }
0x5f: {  	v44 =	vperm.xlane v50, v4;
	v53 =	vadd.s32 v3, v52;
	v31 =	vld.idx.msk [tilespmem:v42+s5+$0x0], $0xffff;
	v42 =	vadd.bf16 v48, v35  }
0x60: {  	v33 =	vmov v52;
	v48 =	vadd.s32 v3, v45;
	v35 =	vld.idx.msk [tilespmem:v40+s5+$0x0], $0xffff;
	v54 =	vadd.bf16 v28, v54  }
0x61: {  	v52 =	vperm.xlane v50, v5;
	v40 =	vadd.s32 v3, v44;
	v55 =	vld.idx.msk [tilespmem:v38+s5+$0x0], $0xffff;
	v38 =	vadd.bf16 v49, v42  }
0x62: {  	v42 =	vadd.s32 v2, v34;
	v56 =	vld.idx.msk [tilespmem:v37+s5+$0x0], $0xffff;
	v37 =	vadd.bf16 v25, v54;
	v25 =	vmov v41  }
0x63: {  	v34 =	vmovc v52;
	v41 =	vadd.s32 v3, v52;
	v28 =	vmov v51;
	v46 =	vld.idx.msk [tilespmem:v46+s5+$0x0], $0xffff;
	v38 =	vadd.bf16 v43, v38  }
0x64: {  	v49 =	vadd.s32 v2, v29;
	v29 =	vmovc v45;
	v43 =	vld.idx.msk [tilespmem:v53+s5+$0x0], $0xffff;
	v51 =	vadd.bf16 v24, v37;
	v24 =	vmov v47  }
0x65: {  	v37 =	vperm.xlane v50, v7;
	v47 =	vadd.s32 v2, v30;
	v45 =	vld.idx.msk [tilespmem:v48+s5+$0x0], $0xffff;
	v39 =	vadd.bf16 v39, v38  }
0x66: {  	v52 =	vperm.xlane v50, v17;
	v30 =	vmovc v44;
	v48 =	vld.idx.msk [tilespmem:v40+s5+$0x0], $0xffff;
	v40 =	vadd.bf16 v21, v51;
	v21 =	vmov v36  }
0x67: {  	v38 =	vperm.xlane v50, v0;
	v36 =	vadd.s32 v3, v37;
	v51 =	vld.idx.msk [tilespmem:v42+s5+$0x0], $0xffff;
	v27 =	vadd.bf16 v27, v39  }
0x68: {  	v53 =	vadd.s32 v2, v52;
	v39 =	vld.idx.msk [tilespmem:v41+s5+$0x0], $0xffff;
	v44 =	vadd.bf16 v20, v40;
	v20 =	vmov v32  }
0x69: {  	s25 =	sadd.s32 $0x40, s25;
	v32 =	vadd.s32 v3, v38;
	v40 =	vperm.xlane v50, v8;
	v49 =	vld.idx.msk [tilespmem:v49+s5+$0x0], $0xffff;
	v41 =	vunpack.i.u.bf16.f32 v27  }
0x6a: {  	s29 =	sshra.s32 s28, $0x2;
	v54 =	vperm.xlane v50, v16;
	v52 =	vadd.s32 v3, v52;
	v27 =	vunpack.i.l.bf16.f32 v27;
	v47 =	vld.idx.msk [tilespmem:v47+s5+$0x0], $0xffff;
	[tilespmem:s25+$0x10] =	vst v41  }
0x6b: {  	v42 =	vperm.xlane v50, v9;
	v57 =	vadd.s32 v3, v40;
	v41 =	vld [tilespmem:s29+$0x7D00];
	[tilespmem:s25+$0xFFFFFFF0] =	vst v27;
	v27 =	vadd.bf16 v19, v44  }
0x6c: {  	v45 =	vadd.bf16 v48, v45;
	v48 =	vadd.s32 v2, v54;
	v19 =	vmov v23;
	v36 =	vld.idx.msk [tilespmem:v36+s5+$0x0], $0xffff  }
0x6d: {  	v58 =	vadd.s32 v3, v42;
	v44 =	vperm.xlane v50, v10;
	v53 =	vld.idx.msk [tilespmem:v53+s5+$0x0], $0xffff;
	v59 =	vadd.bf16 v18, v27  }
0x6e: {  	v23 =	vadd.bf16 v39, v45;
	v39 =	vperm.xlane v50, v15;
	v45 =	vadd.s32 v3, v54;
	v32 =	vld.idx.msk [tilespmem:v32+s5+$0x0], $0xffff  }
0x6f: {  	v60 =	vperm.xlane v50, v11;
	v54 =	vadd.s32 v3, v44;
	v18 =	vmovc v22;
	v27 =	vld.idx.msk [tilespmem:v52+s5+$0x0], $0xffff;
	v52 =	vunpack.i.u.bf16.f32 v59  }
0x70: {  	v22 =	vadd.bf16 v43, v23;
	v47 =	vadd.bf16 v47, v49;
	v43 =	vld.idx.msk [tilespmem:v57+s5+$0x0], $0xffff;
	v57 =	vadd.s32 v2, v39  }
0x71: {  	v62 =	vperm.xlane v50, v12;
	v61 =	vadd.s32 v3, v60;
	v23 =	vld.idx.msk [tilespmem:v48+s5+$0x0], $0xffff;
	v48 =	vunpack.i.l.bf16.f32 v59;
	[tilespmem:s26+$0x0] =	vst v52  }
0x72: {  	v49 =	vadd.bf16 v36, v22;
	v52 =	vperm.xlane v50, v14;
	v36 =	vld.idx.msk [tilespmem:v58+s5+$0x0], $0xffff;
	v58 =	vadd.s32 v3, v39  }
0x73: {  	v59 =	vadd.s32 v3, v62;
	v50 =	vperm.xlane v50, v13;
	v47 =	vadd.bf16 v51, v47;
	v39 =	vld.idx.msk [tilespmem:v45+s5+$0x0], $0xffff  }
0x74: {  	v51 =	vadd.bf16 v32, v49;
	v63 =	vadd.s32 v2, v52;
	v22 =	vmov v53;
	v45 =	vld.idx.msk [tilespmem:v54+s5+$0x0], $0xffff;
	[tilespmem:s26+$0xFFFFFFE0] =	vst v48;
	s26 =	smov.u32 s25  }
.Ltmp0:
0x75: {  	v49 =	vadd.s32 v3, v50;
	v46 =	vadd.bf16 v46, v47;
	v32 =	vld.idx.msk [tilespmem:v57+s5+$0x0], $0xffff;
	(pc) =	sbr.rel @p1 .LBB2_3-.Ltmp0, $4  }
0x76: {  	v54 =	vadd.s32 v3, v52;
	v48 =	vadd.bf16 v43, v51;
	v47 =	vld.idx.msk [tilespmem:v61+s5+$0x0], $0xffff  }
0x77: {  	v50 =	vadd.s32 v2, v50;
	v52 =	vadd.bf16 v56, v46;
	v43 =	vld.idx.msk [tilespmem:v58+s5+$0x0], $0xffff  }
0x78: {  	v53 =	vadd.s32 v2, v62;
	v48 =	vadd.bf16 v36, v48;
	v46 =	vld.idx.msk [tilespmem:v59+s5+$0x0], $0xffff  }
0x79: {  	s28 =	sadd.s32 $0x40, s28;
	v51 =	vadd.s32 v2, v60;
	v52 =	vadd.bf16 v55, v52;
	v36 =	vld.idx.msk [tilespmem:v63+s5+$0x0], $0xffff  }
0x7a: {  	_ =	sdelay $0x3  }
0x7b: {  	v44 =	vadd.s32 v2, v44;
	v49 =	vld.idx.msk [tilespmem:v49+s5+$0x0], $0xffff  }
0x7c: {  	v42 =	vadd.s32 v2, v42;
	v54 =	vld.idx.msk [tilespmem:v54+s5+$0x0], $0xffff  }
0x7d: {  	v55 =	vadd.s32 v2, v40;
	v40 =	vld.idx.msk [tilespmem:v50+s5+$0x0], $0xffff  }
0x7e: {  	v50 =	vadd.s32 v2, v38;
	v38 =	vld.idx.msk [tilespmem:v53+s5+$0x0], $0xffff  }
0x7f: {  	v41 =	vshll.u32 v41, $0x5;
	v37 =	vadd.s32 v2, v37;
	v51 =	vld.idx.msk [tilespmem:v51+s5+$0x0], $0xffff  }
0x80: {  	v34 =	vadd.s32 v2, v34;
	v53 =	vperm.xlane v41, v6;
	v44 =	vld.idx.msk [tilespmem:v44+s5+$0x0], $0xffff  }
0x81: {  	v30 =	vadd.s32 v2, v30;
	v56 =	vperm.xlane v41, v1;
	v35 =	vadd.bf16 v35, v52;
	v42 =	vld.idx.msk [tilespmem:v42+s5+$0x0], $0xffff  }
0x82: {  	v57 =	vperm.xlane v41, v4;
	v58 =	vadd.s32 v3, v53;
	v55 =	vld.idx.msk [tilespmem:v55+s5+$0x0], $0xffff  }
0x83: {  	v59 =	vadd.s32 v3, v56;
	v31 =	vadd.bf16 v31, v35;
	v50 =	vld.idx.msk [tilespmem:v50+s5+$0x0], $0xffff  }
0x84: {  	v45 =	vadd.bf16 v45, v48;
	v61 =	vperm.xlane v41, v5;
	v60 =	vadd.s32 v3, v57;
	v37 =	vld.idx.msk [tilespmem:v37+s5+$0x0], $0xffff  }
0x85: {  	v29 =	vadd.s32 v2, v29;
	v26 =	vadd.bf16 v26, v31;
	v31 =	vld.idx.msk [tilespmem:v34+s5+$0x0], $0xffff  }
0x86: {  	v45 =	vadd.bf16 v47, v45;
	v62 =	vadd.s32 v3, v61;
	v30 =	vld.idx.msk [tilespmem:v30+s5+$0x0], $0xffff  }
0x87: {  	v33 =	vadd.s32 v2, v33;
	v47 =	vperm.xlane v41, v7;
	v52 =	vld.idx.msk [tilespmem:v58+s5+$0x0], $0xffff  }
0x88: {  	v56 =	vadd.s32 v2, v56;
	v45 =	vadd.bf16 v46, v45;
	v35 =	vld.idx.msk [tilespmem:v59+s5+$0x0], $0xffff  }
0x89: {  	v63 =	vadd.s32 v3, v47;
	v34 =	vadd.s32 v2, v57;
	v58 =	vld.idx.msk [tilespmem:v60+s5+$0x0], $0xffff  }
0x8a: {  	v57 =	vperm.xlane v41, v0;
	v45 =	vadd.bf16 v49, v45;
	v26 =	vadd.bf16 v28, v26;
	v28 =	vld.idx.msk [tilespmem:v29+s5+$0x0], $0xffff  }
0x8b: {  	v48 =	vld.idx.msk [tilespmem:v62+s5+$0x0], $0xffff;
	v60 =	vadd.s32 v2, v61  }
0x8c: {  	v33 =	vld.idx.msk [tilespmem:v33+s5+$0x0], $0xffff;
	v61 =	vadd.s32 v3, v57;
	v59 =	vperm.xlane v41, v8;
	v45 =	vadd.bf16 v54, v45  }
0x8d: {  	v25 =	vadd.bf16 v25, v26;
	v26 =	vadd.s32 v2, v53;
	v53 =	vld.idx.msk [tilespmem:v56+s5+$0x0], $0xffff;
	v56 =	vperm.xlane v41, v9  }
0x8e: {  	v62 =	vadd.s32 v3, v59;
	v34 =	vld.idx.msk [tilespmem:v34+s5+$0x0], $0xffff;
	v43 =	vadd.bf16 v43, v45;
	v35 =	vadd.bf16 v58, v35  }
0x8f: {  	v24 =	vadd.bf16 v24, v25;
	v25 =	vld.idx.msk [tilespmem:v63+s5+$0x0], $0xffff;
	v63 =	vadd.s32 v2, v47;
	v28 =	vadd.bf16 v30, v28  }
0x90: {  	v47 =	vperm.xlane v41, v10;
	v58 =	vadd.s32 v3, v56;
	v29 =	vld.idx.msk [tilespmem:v60+s5+$0x0], $0xffff;
	v35 =	vadd.bf16 v48, v35  }
0x91: {  	v39 =	vadd.bf16 v39, v43;
	v43 =	vld.idx.msk [tilespmem:v61+s5+$0x0], $0xffff;
	v60 =	vadd.s32 v2, v57;
	v28 =	vadd.bf16 v31, v28  }
0x92: {  	v49 =	vperm.xlane v41, v11;
	v61 =	vadd.s32 v3, v47;
	v26 =	vld.idx.msk [tilespmem:v26+s5+$0x0], $0xffff;
	v35 =	vadd.bf16 v52, v35  }
0x93: {  	v31 =	vadd.s32 v2, v59;
	v34 =	vadd.bf16 v34, v53;
	v28 =	vadd.bf16 v33, v28;
	v52 =	vld.idx.msk [tilespmem:v62+s5+$0x0], $0xffff  }
0x94: {  	v63 =	vld.idx.msk [tilespmem:v63+s5+$0x0], $0xffff;
	v62 =	vadd.s32 v3, v49;
	v25 =	vadd.bf16 v25, v35  }
0x95: {  	v56 =	vadd.s32 v2, v56;
	v45 =	vld.idx.msk [tilespmem:v58+s5+$0x0], $0xffff;
	v29 =	vadd.bf16 v29, v34;
	v28 =	vadd.bf16 v37, v28  }
0x96: {  	v54 =	vperm.xlane v41, v12;
	v30 =	vld.idx.msk [tilespmem:v60+s5+$0x0], $0xffff;
	v25 =	vadd.bf16 v43, v25  }
0x97: {  	v59 =	vld.idx.msk [tilespmem:v61+s5+$0x0], $0xffff;
	v60 =	vadd.s32 v2, v47;
	v26 =	vadd.bf16 v26, v29;
	v28 =	vadd.bf16 v50, v28  }
0x98: {  	v57 =	vadd.s32 v3, v54;
	v58 =	vperm.xlane v41, v13;
	v31 =	vld.idx.msk [tilespmem:v31+s5+$0x0], $0xffff;
	v25 =	vadd.bf16 v52, v25  }
0x99: {  	v49 =	vadd.s32 v2, v49;
	v62 =	vld.idx.msk [tilespmem:v62+s5+$0x0], $0xffff;
	v26 =	vadd.bf16 v63, v26;
	v28 =	vadd.bf16 v55, v28  }
0x9a: {  	v33 =	vld.idx.msk [tilespmem:v56+s5+$0x0], $0xffff;
	v29 =	vperm.xlane v41, v14;
	v61 =	vadd.s32 v3, v58;
	v25 =	vadd.bf16 v45, v25  }
0x9b: {  	v26 =	vadd.bf16 v30, v26;
	v28 =	vadd.bf16 v42, v28;
	v45 =	vadd.s32 v2, v54  }
0x9c: {  	v35 =	vperm.xlane v41, v15;
	v63 =	vadd.s32 v3, v29;
	v37 =	vld.idx.msk [tilespmem:v60+s5+$0x0], $0xffff;
	v25 =	vadd.bf16 v59, v25  }
0x9d: {  	v34 =	vld.idx.msk [tilespmem:v57+s5+$0x0], $0xffff;
	v58 =	vadd.s32 v2, v58;
	v26 =	vadd.bf16 v31, v26;
	v28 =	vadd.bf16 v44, v28  }
0x9e: {  	v56 =	vperm.xlane v41, v16;
	v57 =	vadd.s32 v3, v35;
	v25 =	vadd.bf16 v62, v25;
	v62 =	vld.idx.msk [tilespmem:v49+s5+$0x0], $0xffff  }
0x9f: {  	v29 =	vadd.s32 v2, v29;
	v59 =	vld.idx.msk [tilespmem:v61+s5+$0x0], $0xffff;
	v26 =	vadd.bf16 v33, v26;
	v28 =	vadd.bf16 v51, v28  }
0xa0: {  	v21 =	vadd.bf16 v21, v24;
	v60 =	vperm.xlane v41, v17;
	v61 =	vadd.s32 v3, v56;
	v48 =	vld.idx.msk [tilespmem:v45+s5+$0x0], $0xffff  }
0xa1: {  	v63 =	vld.idx.msk [tilespmem:v63+s5+$0x0], $0xffff;
	v49 =	vadd.s32 v2, v35;
	v26 =	vadd.bf16 v37, v26;
	v28 =	vadd.bf16 v38, v28  }
0xa2: {  	v27 =	vadd.bf16 v27, v39;
	v52 =	vld.idx.msk [tilespmem:v58+s5+$0x0], $0xffff;
	v44 =	vadd.s32 v3, v60;
	v25 =	vadd.bf16 v34, v25  }
0xa3: {  	v30 =	vadd.s32 v2, v56;
	v50 =	vld.idx.msk [tilespmem:v57+s5+$0x0], $0xffff;
	v28 =	vadd.bf16 v40, v28;
	v26 =	vadd.bf16 v62, v26  }
0xa4: {  	v20 =	vadd.bf16 v20, v21;
	v54 =	vld.idx.msk [tilespmem:v29+s5+$0x0], $0xffff;
	v25 =	vadd.bf16 v59, v25  }
0xa5: {  	v55 =	vadd.s32 v2, v60;
	v53 =	vld.idx.msk [tilespmem:v61+s5+$0x0], $0xffff;
	v28 =	vadd.bf16 v36, v28;
	v26 =	vadd.bf16 v48, v26  }
0xa6: {  	v19 =	vadd.bf16 v19, v20;
	v56 =	vld.idx.msk [tilespmem:v49+s5+$0x0], $0xffff;
	v25 =	vadd.bf16 v63, v25  }
0xa7: {  	v24 =	vld.idx.msk [tilespmem:v44+s5+$0x0], $0xffff;
	v28 =	vadd.bf16 v32, v28;
	v26 =	vadd.bf16 v52, v26  }
0xa8: {  	v18 =	vadd.bf16 v18, v19;
	v19 =	vld.idx.msk [tilespmem:v30+s5+$0x0], $0xffff;
	v25 =	vadd.bf16 v50, v25  }
0xa9: {  	s25 =	sadd.s32 $0x40, s25;
	v58 =	vunpack.i.l.bf16.f32 v27;
	v23 =	vadd.bf16 v23, v28;
	v21 =	vadd.bf16 v54, v26  }
0xaa: {  	v57 =	vunpack.i.u.bf16.f32 v27;
	[tilespmem:s25+$0xFFFFFFF0] =	vst v58;
	v59 =	vld.idx.msk [tilespmem:v55+s5+$0x0], $0xffff;
	v25 =	vadd.bf16 v53, v25  }
0xab: {  	v60 =	vunpack.i.u.bf16.f32 v18;
	[tilespmem:s25+$0x10] =	vst v57;
	v61 =	vadd.bf16 v22, v23;
	v20 =	vadd.bf16 v56, v21  }
0xac: {  	v18 =	vunpack.i.l.bf16.f32 v18;
	[tilespmem:s26+$0x0] =	vst v60;
	v24 =	vadd.bf16 v24, v25  }
0xad: {  	[tilespmem:s26+$0xFFFFFFE0] =	vst v18;
	v63 =	vunpack.i.l.bf16.f32 v61;
	v19 =	vadd.bf16 v19, v20  }
0xae: {  	s31 =	sadd.s32 $0x40, s25;
	v18 =	vunpack.i.u.bf16.f32 v24;
	[tilespmem:s25+$0xFFFFFFE0] =	vst v63  }
0xaf: {  	p1 =	sne.s32 s21, $0x7;
	v62 =	vunpack.i.l.bf16.f32 v24;
	[tilespmem:s31+$0x10] =	vst v18;
	v19 =	vadd.bf16 v59, v19  }
.Ltmp1:
0xb0: {  	[tilespmem:s31+$0xFFFFFFF0] =	vst v62;
	v18 =	vunpack.i.u.bf16.f32 v61;
	(pc) =	sbr.rel @p1 .LBB2_6-.Ltmp1, $4  }
0xb1: {  	[tilespmem:s25+$0x0] =	vst v18;
	v18 =	vunpack.i.u.bf16.f32 v19  }
0xb2: {  	s24 =	sshll.u32 s24, $0x3;
	v19 =	vunpack.i.l.bf16.f32 v19;
	[tilespmem:s31+$0x0] =	vst v18  }
0xb3: {  	s24 =	sadd.s32 s4, s24;
	[tilespmem:s31+$0xFFFFFFE0] =	vst v19  }
0xb4: {  	[hbm4b:s24+s5] =	stream.linear.scatter [tilespmem:s15], [sflag:$0x3], $0x6400, $0x38;
	[tilespmem:$0x17700] =	vst v63  }
.Ltmp2:
0xb5: {  	(pc) =	sbr.rel .LBB2_7-.Ltmp2, $4  }
0xb6: {  	_ = 	snop  }
0xb7: {  	_ =	swait.ge [sflag:s16], $0x1900  }
0xb8: {  	[sflag:s16] =	ssyncset.done $0x0  }
0xb9: {  	[sflag:s16] =	ssyncadd.s32 $0xFFFFE700  }
.LBB2_6:
0xba: {  	s23 =	sadd.s32 s23, s9  }
0xbb: {  	s23 =	sshll.u32 s23, $0x1  }
0xbc: {  	s23 =	sand.u32 $0x1FFFFFC0, s23  }
.Ltmp3:
0xbd: {  	s23 =	sadd.s32 s1, s23;
	(pc) =	sbr.rel @p0 .LBB2_8-.Ltmp3, $4  }
0xbe: {  	[tilespmem:s12], [sflag:$0x1] =	stream.linear.gather [hbm4b:s23+s5], $0x1900, $0x38;
	[tilespmem:$0x17700] =	vst v63  }
0xbf: {  	_ =	swait.ge [sflag:s16], $0x1900  }
0xc0: {  	[sflag:s16] =	ssyncset.done $0x0  }
0xc1: {  	[sflag:s16] =	ssyncadd.s32 $0xFFFFE700  }
.LBB2_7:
0xc2: {  	_ =	swait.ge [sflag:s17], $0x6400  }
0xc3: {  	[sflag:s17] =	ssyncset.done $0x0  }
0xc4: {  	[sflag:s17] =	ssyncadd.s32 $0xFFFF9C00  }
.LBB2_8:
0xc5: {  	s23 =	simm.s32 $0x0  }
0xc6: {  	v18 =	vld [tilespmem:s23+$0x9600];
	_ =	sdelay $0x4  }
0xc7: {  	v20 =	vshll.u32 v18, $0x5  }
0xc8: {  	v22 =	vperm.xlane v20, v6  }
0xc9: {  	v23 =	vperm.xlane v20, v1  }
0xca: {  	v27 =	vperm.xlane v20, v4;
	v18 =	vadd.s32 v3, v22  }
0xcb: {  	v32 =	vperm.xlane v20, v5;
	v19 =	vadd.s32 v3, v23  }
0xcc: {  	v29 =	vperm.xlane v20, v0;
	v21 =	vadd.s32 v3, v27  }
0xcd: {  	s30 =	simm.s32 $0x10;
	v33 =	vperm.xlane v20, v8;
	v24 =	vadd.s32 v3, v32  }
0xce: {  	v35 =	vld [tilespmem:s30+$0x9600];
	v37 =	vperm.xlane v20, v9;
	v31 =	vadd.s32 v3, v29  }
0xcf: {  	v34 =	vperm.xlane v20, v16;
	v36 =	vadd.s32 v3, v33;
	v28 =	vld.idx.msk [tilespmem:v18+s5+$0x0], $0xffff  }
0xd0: {  	v41 =	vperm.xlane v20, v10;
	v40 =	vadd.s32 v3, v37;
	v30 =	vld.idx.msk [tilespmem:v19+s5+$0x0], $0xffff  }
0xd1: {  	v44 =	vperm.xlane v20, v11;
	v39 =	vadd.s32 v2, v34;
	v34 =	vadd.s32 v3, v34;
	v21 =	vld.idx.msk [tilespmem:v21+s5+$0x0], $0xffff  }
0xd2: {  	v49 =	vperm.xlane v20, v13;
	v43 =	vadd.s32 v3, v41;
	v24 =	vld.idx.msk [tilespmem:v24+s5+$0x0], $0xffff  }
0xd3: {  	v46 =	vadd.s32 v3, v44;
	v31 =	vld.idx.msk [tilespmem:v31+s5+$0x0], $0xffff  }
0xd4: {  	v51 =	vadd.s32 v3, v49;
	v36 =	vld.idx.msk [tilespmem:v36+s5+$0x0], $0xffff  }
0xd5: {  	v26 =	vperm.xlane v20, v7;
	v60 =	vadd.s32 v2, v41;
	v55 =	vld.idx.msk [tilespmem:v40+s5+$0x0], $0xffff  }
0xd6: {  	v25 =	vperm.xlane v20, v17;
	v62 =	vadd.s32 v2, v29;
	v50 =	vld.idx.msk [tilespmem:v34+s5+$0x0], $0xffff  }
0xd7: {  	v63 =	vadd.s32 v2, v26;
	v43 =	vld.idx.msk [tilespmem:v43+s5+$0x0], $0xffff  }
0xd8: {  	v19 =	vadd.s32 v2, v25;
	v25 =	vadd.s32 v3, v25;
	v46 =	vld.idx.msk [tilespmem:v46+s5+$0x0], $0xffff  }
0xd9: {  	v18 =	vadd.s32 v3, v26;
	v41 =	vld.idx.msk [tilespmem:v51+s5+$0x0], $0xffff  }
0xda: {  	v32 =	vadd.s32 v2, v32;
	v26 =	vld.idx.msk [tilespmem:v60+s5+$0x0], $0xffff  }
0xdb: {  	v42 =	vperm.xlane v20, v15;
	v52 =	vld.idx.msk [tilespmem:v62+s5+$0x0], $0xffff  }
0xdc: {  	v51 =	vld.idx.msk [tilespmem:v63+s5+$0x0], $0xffff  }
0xdd: {  	v47 =	vperm.xlane v20, v12;
	v45 =	vld.idx.msk [tilespmem:v25+s5+$0x0], $0xffff;
	v25 =	vadd.s32 v2, v42;
	v21 =	vadd.bf16 v21, v30  }
0xde: {  	v38 =	vld.idx.msk [tilespmem:v18+s5+$0x0], $0xffff;
	v42 =	vadd.s32 v3, v42  }
0xdf: {  	v57 =	vperm.xlane v20, v14;
	v48 =	vadd.s32 v3, v47;
	v32 =	vld.idx.msk [tilespmem:v32+s5+$0x0], $0xffff;
	v24 =	vadd.bf16 v24, v21  }
0xe0: {  	v18 =	vld.idx.msk [tilespmem:v19+s5+$0x0], $0xffff;
	v30 =	vadd.s32 v2, v49  }
0xe1: {  	v58 =	vadd.s32 v2, v57;
	v19 =	vld.idx.msk [tilespmem:v39+s5+$0x0], $0xffff;
	v24 =	vadd.bf16 v28, v24  }
0xe2: {  	v61 =	vadd.s32 v2, v33;
	v20 =	vld.idx.msk [tilespmem:v25+s5+$0x0], $0xffff  }
0xe3: {  	v25 =	vadd.s32 v3, v57;
	v49 =	vld.idx.msk [tilespmem:v42+s5+$0x0], $0xffff;
	v28 =	vadd.bf16 v38, v24  }
0xe4: {  	v59 =	vadd.s32 v2, v47;
	v42 =	vld.idx.msk [tilespmem:v48+s5+$0x0], $0xffff;
	v48 =	vshll.u32 v35, $0x5  }
0xe5: {  	v44 =	vadd.s32 v2, v44;
	v24 =	vld.idx.msk [tilespmem:v30+s5+$0x0], $0xffff;
	v33 =	vperm.xlane v48, v6;
	v30 =	vadd.bf16 v31, v28  }
0xe6: {  	v37 =	vadd.s32 v2, v37;
	v21 =	vld.idx.msk [tilespmem:v58+s5+$0x0], $0xffff  }
0xe7: {  	v35 =	vld.idx.msk [tilespmem:v61+s5+$0x0], $0xffff;
	v29 =	vperm.xlane v48, v1;
	v57 =	vadd.s32 v3, v33;
	v56 =	vadd.bf16 v36, v30  }
0xe8: {  	v22 =	vadd.s32 v2, v22;
	v47 =	vld.idx.msk [tilespmem:v25+s5+$0x0], $0xffff;
	v30 =	vperm.xlane v48, v4  }
0xe9: {  	v34 =	vperm.xlane v48, v5;
	v58 =	vadd.s32 v3, v29;
	v25 =	vld.idx.msk [tilespmem:v59+s5+$0x0], $0xffff;
	v59 =	vadd.bf16 v55, v56  }
0xea: {  	v28 =	vld.idx.msk [tilespmem:v44+s5+$0x0], $0xffff;
	v60 =	vadd.s32 v3, v30  }
0xeb: {  	v31 =	vld.idx.msk [tilespmem:v37+s5+$0x0], $0xffff;
	v61 =	vadd.s32 v3, v34;
	v38 =	vadd.bf16 v43, v59  }
0xec: {  	v27 =	vadd.s32 v2, v27;
	v36 =	vld.idx.msk [tilespmem:v57+s5+$0x0], $0xffff  }
0xed: {  	v37 =	vperm.xlane v48, v7;
	v43 =	vld.idx.msk [tilespmem:v22+s5+$0x0], $0xffff;
	v22 =	vadd.s32 v2, v23;
	v23 =	vadd.bf16 v46, v38  }
0xee: {  	v63 =	vperm.xlane v48, v17;
	v62 =	vld.idx.msk [tilespmem:v58+s5+$0x0], $0xffff  }
0xef: {  	v53 =	vadd.s32 v3, v37;
	v38 =	vperm.xlane v48, v0;
	v39 =	vld.idx.msk [tilespmem:v60+s5+$0x0], $0xffff;
	v23 =	vadd.bf16 v42, v23  }
0xf0: {  	v55 =	vadd.s32 v2, v63;
	v54 =	vld.idx.msk [tilespmem:v61+s5+$0x0], $0xffff  }
0xf1: {  	v40 =	vperm.xlane v48, v8;
	v59 =	vld.idx.msk [tilespmem:v27+s5+$0x0], $0xffff;
	v56 =	vadd.s32 v3, v38;
	v23 =	vadd.bf16 v41, v23  }
0xf2: {  	s31 =	simm.s32 $0x20;
	v58 =	vperm.xlane v48, v16;
	v46 =	vadd.s32 v3, v63;
	v57 =	vld.idx.msk [tilespmem:v22+s5+$0x0], $0xffff  }
0xf3: {  	v42 =	vperm.xlane v48, v9;
	v41 =	vld [tilespmem:s31+$0x9600];
	v22 =	vadd.bf16 v47, v23;
	v23 =	vadd.s32 v3, v40  }
0xf4: {  	v27 =	vadd.bf16 v39, v62;
	v39 =	vld.idx.msk [tilespmem:v53+s5+$0x0], $0xffff;
	v47 =	vadd.s32 v2, v58  }
0xf5: {  	v44 =	vperm.xlane v48, v10;
	v53 =	vadd.s32 v3, v42;
	v49 =	vadd.bf16 v49, v22;
	v22 =	vld.idx.msk [tilespmem:v55+s5+$0x0], $0xffff  }
0xf6: {  	v58 =	vadd.s32 v3, v58;
	v54 =	vadd.bf16 v54, v27;
	v55 =	vld.idx.msk [tilespmem:v56+s5+$0x0], $0xffff;
	v56 =	vperm.xlane v48, v15  }
0xf7: {  	v61 =	vperm.xlane v48, v11;
	v60 =	vadd.s32 v3, v44;
	v27 =	vld.idx.msk [tilespmem:v46+s5+$0x0], $0xffff;
	v46 =	vadd.bf16 v50, v49  }
0xf8: {  	v36 =	vadd.bf16 v36, v54;
	v50 =	vadd.s32 v2, v56;
	v54 =	vadd.bf16 v59, v57;
	v49 =	vld.idx.msk [tilespmem:v23+s5+$0x0], $0xffff  }
0xf9: {  	v62 =	vperm.xlane v48, v14;
	v57 =	vadd.s32 v3, v61;
	v59 =	vperm.xlane v48, v12;
	v23 =	vld.idx.msk [tilespmem:v47+s5+$0x0], $0xffff  }
0xfa: {  	v56 =	vadd.s32 v3, v56;
	v53 =	vld.idx.msk [tilespmem:v53+s5+$0x0], $0xffff;
	v36 =	vadd.bf16 v39, v36;
	v32 =	vadd.bf16 v32, v54  }
0xfb: {  	v48 =	vperm.xlane v48, v13;
	v46 =	vadd.bf16 v45, v46;
	v63 =	vadd.s32 v3, v59;
	v39 =	vld.idx.msk [tilespmem:v58+s5+$0x0], $0xffff  }
0xfc: {  	v45 =	vld.idx.msk [tilespmem:v60+s5+$0x0], $0xffff;
	v36 =	vadd.bf16 v55, v36;
	v55 =	vadd.s32 v2, v62;
	v54 =	vadd.bf16 v43, v32  }
0xfd: {  	v32 =	vld.idx.msk [tilespmem:v50+s5+$0x0], $0xffff;
	v50 =	vadd.s32 v3, v48  }
0xfe: {  	v47 =	vld.idx.msk [tilespmem:v57+s5+$0x0], $0xffff;
	v36 =	vadd.bf16 v49, v36;
	v60 =	vadd.bf16 v51, v54;
	v54 =	vadd.s32 v3, v62  }
0xff: {  	s23 =	simm.s32 $0x11320;
	v58 =	vunpack.i.u.bf16.f32 v46;
	v46 =	vunpack.i.l.bf16.f32 v46;
	v43 =	vld.idx.msk [tilespmem:v56+s5+$0x0], $0xffff;
	v51 =	vadd.s32 v2, v48  }
0x100: {  	[tilespmem:s23+$0xFFFFFFF0] =	vst v46;
	v46 =	vld.idx.msk [tilespmem:v63+s5+$0x0], $0xffff;
	v48 =	vadd.bf16 v53, v36;
	v53 =	vadd.s32 v2, v59  }
0x101: {  	s25 =	simm.s32 $0xC0;
	s24 =	simm.s32 $0x11320;
	[tilespmem:s23+$0x10] =	vst v58;
	v49 =	vadd.s32 v2, v61;
	v52 =	vadd.bf16 v52, v60;
	v36 =	vld.idx.msk [tilespmem:v55+s5+$0x0], $0xffff  }
.LBB2_9:
0x102: {  	p0 =	sne.s32 s25, $0x63C0;
	v44 =	vadd.s32 v2, v44;
	v45 =	vadd.bf16 v45, v48;
	v48 =	vld.idx.msk [tilespmem:v50+s5+$0x0], $0xffff  }
0x103: {  	v42 =	vadd.s32 v2, v42;
	v50 =	vld.idx.msk [tilespmem:v54+s5+$0x0], $0xffff;
	v35 =	vadd.bf16 v35, v52  }
0x104: {  	v40 =	vadd.s32 v2, v40;
	v38 =	vadd.s32 v2, v38;
	v45 =	vadd.bf16 v47, v45;
	v47 =	vld.idx.msk [tilespmem:v51+s5+$0x0], $0xffff  }
0x105: {  	v37 =	vadd.s32 v2, v37;
	v51 =	vshll.u32 v41, $0x5;
	v41 =	vld.idx.msk [tilespmem:v53+s5+$0x0], $0xffff;
	v31 =	vadd.bf16 v31, v35  }
0x106: {  	v52 =	vperm.xlane v51, v6;
	v49 =	vld.idx.msk [tilespmem:v49+s5+$0x0], $0xffff;
	v35 =	vadd.bf16 v46, v45;
	v45 =	vperm.xlane v51, v1  }
0x107: {  	v46 =	vadd.s32 v2, v33;
	v54 =	vadd.bf16 v26, v31;
	v26 =	vld.idx.msk [tilespmem:v44+s5+$0x0], $0xffff;
	v44 =	vperm.xlane v51, v4  }
0x108: {  	v53 =	vadd.s32 v3, v52;
	v33 =	vmov v52;
	v31 =	vld.idx.msk [tilespmem:v42+s5+$0x0], $0xffff;
	v42 =	vadd.bf16 v48, v35  }
0x109: {  	v52 =	vperm.xlane v51, v5;
	v48 =	vadd.s32 v3, v45;
	v35 =	vld.idx.msk [tilespmem:v40+s5+$0x0], $0xffff;
	v54 =	vadd.bf16 v28, v54  }
0x10a: {  	v40 =	vadd.s32 v3, v44;
	v55 =	vld.idx.msk [tilespmem:v38+s5+$0x0], $0xffff;
	v38 =	vadd.bf16 v50, v42;
	v42 =	vadd.s32 v2, v34  }
0x10b: {  	v56 =	vld.idx.msk [tilespmem:v37+s5+$0x0], $0xffff;
	v37 =	vadd.bf16 v25, v54;
	v25 =	vmov v41;
	v41 =	vadd.s32 v3, v52  }
0x10c: {  	v34 =	vmovc v52;
	v28 =	vmov v49;
	v49 =	vadd.s32 v2, v29;
	v46 =	vld.idx.msk [tilespmem:v46+s5+$0x0], $0xffff;
	v38 =	vadd.bf16 v43, v38  }
0x10d: {  	v29 =	vmovc v45;
	v52 =	vperm.xlane v51, v17;
	v43 =	vld.idx.msk [tilespmem:v53+s5+$0x0], $0xffff;
	v50 =	vadd.bf16 v24, v37;
	v24 =	vmov v47  }
0x10e: {  	v37 =	vperm.xlane v51, v7;
	v47 =	vadd.s32 v2, v30;
	v45 =	vld.idx.msk [tilespmem:v48+s5+$0x0], $0xffff;
	v39 =	vadd.bf16 v39, v38  }
0x10f: {  	v54 =	vperm.xlane v51, v16;
	v30 =	vmovc v44;
	v48 =	vld.idx.msk [tilespmem:v40+s5+$0x0], $0xffff;
	v40 =	vadd.bf16 v21, v50;
	v21 =	vmov v36  }
0x110: {  	v38 =	vperm.xlane v51, v0;
	v36 =	vadd.s32 v3, v37;
	v50 =	vld.idx.msk [tilespmem:v42+s5+$0x0], $0xffff;
	v27 =	vadd.bf16 v27, v39  }
0x111: {  	v53 =	vadd.s32 v2, v52;
	v39 =	vld.idx.msk [tilespmem:v41+s5+$0x0], $0xffff;
	v44 =	vadd.bf16 v20, v40;
	v20 =	vmov v32  }
0x112: {  	s23 =	sadd.s32 $0x40, s23;
	v32 =	vadd.s32 v3, v38;
	v40 =	vperm.xlane v51, v8;
	v49 =	vld.idx.msk [tilespmem:v49+s5+$0x0], $0xffff;
	v41 =	vunpack.i.u.bf16.f32 v27  }
0x113: {  	s26 =	sshra.s32 s25, $0x2;
	v52 =	vadd.s32 v3, v52;
	v42 =	vperm.xlane v51, v9;
	v27 =	vunpack.i.l.bf16.f32 v27;
	v47 =	vld.idx.msk [tilespmem:v47+s5+$0x0], $0xffff;
	[tilespmem:s23+$0x10] =	vst v41  }
0x114: {  	v57 =	vadd.s32 v3, v40;
	v41 =	vld [tilespmem:s26+$0x9600];
	[tilespmem:s23+$0xFFFFFFF0] =	vst v27;
	v27 =	vadd.bf16 v19, v44;
	v45 =	vadd.bf16 v48, v45  }
0x115: {  	v36 =	vld.idx.msk [tilespmem:v36+s5+$0x0], $0xffff  }
0x116: {  	v58 =	vadd.s32 v3, v42;
	v48 =	vadd.s32 v2, v54;
	v19 =	vmovc v23;
	v23 =	vadd.bf16 v39, v45  }
0x117: {  	v44 =	vperm.xlane v51, v10;
	v53 =	vld.idx.msk [tilespmem:v53+s5+$0x0], $0xffff;
	v59 =	vadd.bf16 v18, v27;
	v39 =	vperm.xlane v51, v15  }
0x118: {  	v45 =	vadd.s32 v3, v54;
	v18 =	vmov v22;
	v32 =	vld.idx.msk [tilespmem:v32+s5+$0x0], $0xffff;
	v22 =	vadd.bf16 v43, v23  }
0x119: {  	v60 =	vperm.xlane v51, v11;
	v54 =	vadd.s32 v3, v44;
	v27 =	vld.idx.msk [tilespmem:v52+s5+$0x0], $0xffff;
	v52 =	vunpack.i.u.bf16.f32 v59  }
0x11a: {  	v47 =	vadd.bf16 v47, v49;
	v43 =	vld.idx.msk [tilespmem:v57+s5+$0x0], $0xffff;
	v57 =	vadd.s32 v2, v39;
	v22 =	vadd.bf16 v36, v22  }
0x11b: {  	v61 =	vperm.xlane v51, v12;
	v49 =	vadd.s32 v3, v60;
	v23 =	vld.idx.msk [tilespmem:v48+s5+$0x0], $0xffff;
	v48 =	vunpack.i.l.bf16.f32 v59;
	[tilespmem:s24+$0x0] =	vst v52  }
0x11c: {  	v52 =	vperm.xlane v51, v14;
	v36 =	vld.idx.msk [tilespmem:v58+s5+$0x0], $0xffff;
	v58 =	vadd.s32 v3, v39  }
0x11d: {  	v59 =	vadd.s32 v3, v61;
	v51 =	vperm.xlane v51, v13;
	v47 =	vadd.bf16 v50, v47;
	v39 =	vld.idx.msk [tilespmem:v45+s5+$0x0], $0xffff  }
0x11e: {  	v62 =	vadd.bf16 v32, v22;
	v63 =	vadd.s32 v2, v52;
	v45 =	vld.idx.msk [tilespmem:v54+s5+$0x0], $0xffff;
	[tilespmem:s24+$0xFFFFFFE0] =	vst v48;
	s24 =	smov.u32 s23;
	v22 =	vmov v53  }
.Ltmp4:
0x11f: {  	v50 =	vadd.s32 v3, v51;
	v46 =	vadd.bf16 v46, v47;
	v32 =	vld.idx.msk [tilespmem:v57+s5+$0x0], $0xffff;
	(pc) =	sbr.rel @p0 .LBB2_9-.Ltmp4, $4  }
0x120: {  	v54 =	vadd.s32 v3, v52;
	v48 =	vadd.bf16 v43, v62;
	v47 =	vld.idx.msk [tilespmem:v49+s5+$0x0], $0xffff  }
0x121: {  	v51 =	vadd.s32 v2, v51;
	v52 =	vadd.bf16 v56, v46;
	v43 =	vld.idx.msk [tilespmem:v58+s5+$0x0], $0xffff  }
0x122: {  	v53 =	vadd.s32 v2, v61;
	v48 =	vadd.bf16 v36, v48;
	v46 =	vld.idx.msk [tilespmem:v59+s5+$0x0], $0xffff  }
0x123: {  	s25 =	sadd.s32 $0x40, s25;
	v49 =	vadd.s32 v2, v60;
	v52 =	vadd.bf16 v55, v52;
	v36 =	vld.idx.msk [tilespmem:v63+s5+$0x0], $0xffff  }
0x124: {  	_ =	sdelay $0x3  }
0x125: {  	v44 =	vadd.s32 v2, v44;
	v50 =	vld.idx.msk [tilespmem:v50+s5+$0x0], $0xffff  }
0x126: {  	v42 =	vadd.s32 v2, v42;
	v54 =	vld.idx.msk [tilespmem:v54+s5+$0x0], $0xffff  }
0x127: {  	v55 =	vadd.s32 v2, v40;
	v40 =	vld.idx.msk [tilespmem:v51+s5+$0x0], $0xffff  }
0x128: {  	v51 =	vadd.s32 v2, v38;
	v38 =	vld.idx.msk [tilespmem:v53+s5+$0x0], $0xffff  }
0x129: {  	v41 =	vshll.u32 v41, $0x5;
	v37 =	vadd.s32 v2, v37;
	v49 =	vld.idx.msk [tilespmem:v49+s5+$0x0], $0xffff  }
0x12a: {  	v34 =	vadd.s32 v2, v34;
	v53 =	vperm.xlane v41, v6;
	v44 =	vld.idx.msk [tilespmem:v44+s5+$0x0], $0xffff  }
0x12b: {  	v30 =	vadd.s32 v2, v30;
	v56 =	vperm.xlane v41, v1;
	v35 =	vadd.bf16 v35, v52;
	v42 =	vld.idx.msk [tilespmem:v42+s5+$0x0], $0xffff  }
0x12c: {  	v57 =	vperm.xlane v41, v4;
	v58 =	vadd.s32 v3, v53;
	v55 =	vld.idx.msk [tilespmem:v55+s5+$0x0], $0xffff  }
0x12d: {  	v59 =	vadd.s32 v3, v56;
	v31 =	vadd.bf16 v31, v35;
	v51 =	vld.idx.msk [tilespmem:v51+s5+$0x0], $0xffff  }
0x12e: {  	v45 =	vadd.bf16 v45, v48;
	v61 =	vperm.xlane v41, v5;
	v60 =	vadd.s32 v3, v57;
	v37 =	vld.idx.msk [tilespmem:v37+s5+$0x0], $0xffff  }
0x12f: {  	v29 =	vadd.s32 v2, v29;
	v26 =	vadd.bf16 v26, v31;
	v31 =	vld.idx.msk [tilespmem:v34+s5+$0x0], $0xffff  }
0x130: {  	v45 =	vadd.bf16 v47, v45;
	v62 =	vadd.s32 v3, v61;
	v30 =	vld.idx.msk [tilespmem:v30+s5+$0x0], $0xffff  }
0x131: {  	v33 =	vadd.s32 v2, v33;
	v47 =	vperm.xlane v41, v7;
	v52 =	vld.idx.msk [tilespmem:v58+s5+$0x0], $0xffff  }
0x132: {  	v56 =	vadd.s32 v2, v56;
	v45 =	vadd.bf16 v46, v45;
	v35 =	vld.idx.msk [tilespmem:v59+s5+$0x0], $0xffff  }
0x133: {  	v63 =	vadd.s32 v3, v47;
	v34 =	vadd.s32 v2, v57;
	v58 =	vld.idx.msk [tilespmem:v60+s5+$0x0], $0xffff  }
0x134: {  	v57 =	vperm.xlane v41, v0;
	v45 =	vadd.bf16 v50, v45;
	v26 =	vadd.bf16 v28, v26;
	v28 =	vld.idx.msk [tilespmem:v29+s5+$0x0], $0xffff  }
0x135: {  	v48 =	vld.idx.msk [tilespmem:v62+s5+$0x0], $0xffff;
	v60 =	vadd.s32 v2, v61  }
0x136: {  	v33 =	vld.idx.msk [tilespmem:v33+s5+$0x0], $0xffff;
	v61 =	vadd.s32 v3, v57;
	v59 =	vperm.xlane v41, v8;
	v45 =	vadd.bf16 v54, v45  }
0x137: {  	v25 =	vadd.bf16 v25, v26;
	v26 =	vadd.s32 v2, v53;
	v53 =	vld.idx.msk [tilespmem:v56+s5+$0x0], $0xffff;
	v56 =	vperm.xlane v41, v9  }
0x138: {  	v62 =	vadd.s32 v3, v59;
	v34 =	vld.idx.msk [tilespmem:v34+s5+$0x0], $0xffff;
	v43 =	vadd.bf16 v43, v45;
	v35 =	vadd.bf16 v58, v35  }
0x139: {  	v24 =	vadd.bf16 v24, v25;
	v25 =	vld.idx.msk [tilespmem:v63+s5+$0x0], $0xffff;
	v63 =	vadd.s32 v2, v47;
	v28 =	vadd.bf16 v30, v28  }
0x13a: {  	v47 =	vperm.xlane v41, v10;
	v58 =	vadd.s32 v3, v56;
	v29 =	vld.idx.msk [tilespmem:v60+s5+$0x0], $0xffff;
	v35 =	vadd.bf16 v48, v35  }
0x13b: {  	v39 =	vadd.bf16 v39, v43;
	v43 =	vld.idx.msk [tilespmem:v61+s5+$0x0], $0xffff;
	v60 =	vadd.s32 v2, v57;
	v28 =	vadd.bf16 v31, v28  }
0x13c: {  	v50 =	vperm.xlane v41, v11;
	v61 =	vadd.s32 v3, v47;
	v26 =	vld.idx.msk [tilespmem:v26+s5+$0x0], $0xffff;
	v35 =	vadd.bf16 v52, v35  }
0x13d: {  	v31 =	vadd.s32 v2, v59;
	v34 =	vadd.bf16 v34, v53;
	v28 =	vadd.bf16 v33, v28;
	v52 =	vld.idx.msk [tilespmem:v62+s5+$0x0], $0xffff  }
0x13e: {  	v63 =	vld.idx.msk [tilespmem:v63+s5+$0x0], $0xffff;
	v62 =	vadd.s32 v3, v50;
	v25 =	vadd.bf16 v25, v35  }
0x13f: {  	v56 =	vadd.s32 v2, v56;
	v45 =	vld.idx.msk [tilespmem:v58+s5+$0x0], $0xffff;
	v29 =	vadd.bf16 v29, v34;
	v28 =	vadd.bf16 v37, v28  }
0x140: {  	v54 =	vperm.xlane v41, v12;
	v30 =	vld.idx.msk [tilespmem:v60+s5+$0x0], $0xffff;
	v25 =	vadd.bf16 v43, v25  }
0x141: {  	v59 =	vld.idx.msk [tilespmem:v61+s5+$0x0], $0xffff;
	v60 =	vadd.s32 v2, v47;
	v26 =	vadd.bf16 v26, v29;
	v28 =	vadd.bf16 v51, v28  }
0x142: {  	v57 =	vadd.s32 v3, v54;
	v58 =	vperm.xlane v41, v13;
	v31 =	vld.idx.msk [tilespmem:v31+s5+$0x0], $0xffff;
	v25 =	vadd.bf16 v52, v25  }
0x143: {  	v50 =	vadd.s32 v2, v50;
	v62 =	vld.idx.msk [tilespmem:v62+s5+$0x0], $0xffff;
	v26 =	vadd.bf16 v63, v26;
	v28 =	vadd.bf16 v55, v28  }
0x144: {  	v33 =	vld.idx.msk [tilespmem:v56+s5+$0x0], $0xffff;
	v29 =	vperm.xlane v41, v14;
	v61 =	vadd.s32 v3, v58;
	v25 =	vadd.bf16 v45, v25  }
0x145: {  	v26 =	vadd.bf16 v30, v26;
	v28 =	vadd.bf16 v42, v28;
	v45 =	vadd.s32 v2, v54  }
0x146: {  	v35 =	vperm.xlane v41, v15;
	v63 =	vadd.s32 v3, v29;
	v37 =	vld.idx.msk [tilespmem:v60+s5+$0x0], $0xffff;
	v25 =	vadd.bf16 v59, v25  }
0x147: {  	v34 =	vld.idx.msk [tilespmem:v57+s5+$0x0], $0xffff;
	v58 =	vadd.s32 v2, v58;
	v26 =	vadd.bf16 v31, v26;
	v28 =	vadd.bf16 v44, v28  }
0x148: {  	v56 =	vperm.xlane v41, v16;
	v57 =	vadd.s32 v3, v35;
	v25 =	vadd.bf16 v62, v25;
	v62 =	vld.idx.msk [tilespmem:v50+s5+$0x0], $0xffff  }
0x149: {  	v29 =	vadd.s32 v2, v29;
	v59 =	vld.idx.msk [tilespmem:v61+s5+$0x0], $0xffff;
	v26 =	vadd.bf16 v33, v26;
	v28 =	vadd.bf16 v49, v28  }
0x14a: {  	v21 =	vadd.bf16 v21, v24;
	v60 =	vperm.xlane v41, v17;
	v61 =	vadd.s32 v3, v56;
	v48 =	vld.idx.msk [tilespmem:v45+s5+$0x0], $0xffff  }
0x14b: {  	v63 =	vld.idx.msk [tilespmem:v63+s5+$0x0], $0xffff;
	v50 =	vadd.s32 v2, v35;
	v26 =	vadd.bf16 v37, v26;
	v28 =	vadd.bf16 v38, v28  }
0x14c: {  	v27 =	vadd.bf16 v27, v39;
	v52 =	vld.idx.msk [tilespmem:v58+s5+$0x0], $0xffff;
	v44 =	vadd.s32 v3, v60;
	v25 =	vadd.bf16 v34, v25  }
0x14d: {  	v30 =	vadd.s32 v2, v56;
	v51 =	vld.idx.msk [tilespmem:v57+s5+$0x0], $0xffff;
	v28 =	vadd.bf16 v40, v28;
	v26 =	vadd.bf16 v62, v26  }
0x14e: {  	v20 =	vadd.bf16 v20, v21;
	v54 =	vld.idx.msk [tilespmem:v29+s5+$0x0], $0xffff;
	v25 =	vadd.bf16 v59, v25  }
0x14f: {  	v55 =	vadd.s32 v2, v60;
	v53 =	vld.idx.msk [tilespmem:v61+s5+$0x0], $0xffff;
	v28 =	vadd.bf16 v36, v28;
	v26 =	vadd.bf16 v48, v26  }
0x150: {  	v19 =	vadd.bf16 v19, v20;
	v56 =	vld.idx.msk [tilespmem:v50+s5+$0x0], $0xffff;
	v25 =	vadd.bf16 v63, v25  }
0x151: {  	v24 =	vld.idx.msk [tilespmem:v44+s5+$0x0], $0xffff;
	v28 =	vadd.bf16 v32, v28;
	v26 =	vadd.bf16 v52, v26  }
0x152: {  	v18 =	vadd.bf16 v18, v19;
	v19 =	vld.idx.msk [tilespmem:v30+s5+$0x0], $0xffff;
	v25 =	vadd.bf16 v51, v25  }
0x153: {  	s23 =	sadd.s32 $0x40, s23;
	v58 =	vunpack.i.l.bf16.f32 v27;
	v23 =	vadd.bf16 v23, v28;
	v21 =	vadd.bf16 v54, v26  }
0x154: {  	v57 =	vunpack.i.u.bf16.f32 v27;
	[tilespmem:s23+$0xFFFFFFF0] =	vst v58;
	v59 =	vld.idx.msk [tilespmem:v55+s5+$0x0], $0xffff;
	v25 =	vadd.bf16 v53, v25  }
0x155: {  	v60 =	vunpack.i.u.bf16.f32 v18;
	[tilespmem:s23+$0x10] =	vst v57;
	v61 =	vadd.bf16 v22, v23;
	v20 =	vadd.bf16 v56, v21  }
0x156: {  	v18 =	vunpack.i.l.bf16.f32 v18;
	[tilespmem:s24+$0x0] =	vst v60;
	v24 =	vadd.bf16 v24, v25  }
0x157: {  	[tilespmem:s24+$0xFFFFFFE0] =	vst v18;
	v63 =	vunpack.i.l.bf16.f32 v61;
	v19 =	vadd.bf16 v19, v20  }
0x158: {  	s21 =	sadd.s32 $0x1, s21;
	s31 =	sadd.s32 $0x40, s23;
	v18 =	vunpack.i.u.bf16.f32 v24;
	[tilespmem:s23+$0xFFFFFFE0] =	vst v63  }
0x159: {  	p0 =	sne.s32 s21, $0x8;
	v62 =	vunpack.i.l.bf16.f32 v24;
	[tilespmem:s31+$0x10] =	vst v18;
	v19 =	vadd.bf16 v59, v19  }
.Ltmp5:
0x15a: {  	[tilespmem:s31+$0xFFFFFFF0] =	vst v62;
	v18 =	vunpack.i.u.bf16.f32 v61;
	(pc) =	sbr.rel @p0 .LBB2_2-.Ltmp5, $4  }
0x15b: {  	s22 =	sshll.u32 s22, $0x3;
	[tilespmem:s23+$0x0] =	vst v18;
	v18 =	vunpack.i.u.bf16.f32 v19  }
0x15c: {  	s22 =	sand.u32 $0x1FFFFF80, s22;
	v19 =	vunpack.i.l.bf16.f32 v19;
	[tilespmem:s31+$0x0] =	vst v18  }
0x15d: {  	s22 =	sadd.s32 s4, s22;
	[tilespmem:s31+$0xFFFFFFE0] =	vst v19  }
0x15e: {  	[hbm4b:s22+s5] =	stream.linear.scatter [tilespmem:s18], [sflag:$0x4], $0x6400, $0x38;
	[tilespmem:$0x17700] =	vst v63  }
0x15f: {  	s20 =	sadd.s32 $0x1, s20  }
0x160: {  	_ =	swait.ge [sflag:s19], $0x6400;
	p0 =	sne.s32 s20, s10  }
.Ltmp6:
0x161: {  	[sflag:s19] =	ssyncset.done $0x0;
	(pc) =	sbr.rel @p0 .LBB2_1-.Ltmp6, $4  }
0x162: {  	[sflag:s19] =	ssyncadd.s32 $0xFFFF9C00  }
0x163: {  	_ =	swait.ge [sflag:s17], $0x6400  }
0x164: {  	[sflag:s17] =	ssyncset.done $0x0  }
0x165: {  	[sflag:s17] =	ssyncadd.s32 $0xFFFF9C00  }
0x166: {  	_ =	sfence.sel $0x180000  }
0x167: {  	[bflag:$0x0] =	sbarrier.arrive $0xFFFF  }
0x168: {  	p0 =	sne.s32 s0, $0x0;
	_ =	strace $0x90000047  }
0x169: {  	s0 =	sadd.s32 @!p0 $0x100000, s2;
	[bflag:$0x2] =	sbarrier.arrive $0xFFFF  }
0x16a: {  	[sflag:s0] =	ssyncadd.tile.s32 @!p0 $0x1;
	_ =	shalt  }
.Lfunc_end2:
_tile_overlayer_lowered:
.L_overlay_start_2:
0x16b: {  	(tag) =	ssettag $0x2  }
0x16c: {  	s0 =	rddreg [dreg:$0x0];
	s2 =	stileid.u32  }
0x16d: {  	s1 =	rddreg [dreg:$0x1];
	p0 =	sne.s32 s2, $0x0  }
0x16e: {  	s3 =	rddreg [dreg:$0x2];
	[bflag:$0x3] =	sbarrier.arrive $0xFFFF;
	s2 =	simm.s32 @!p0 $0x1C05  }
0x16f: {  	[timem:s3], [sflag:s2] =	dma.local @!p0 [hbm:s0], s1  }
0x170: {  	s0 =	simm.s32 @!p0 $0x5  }
0x171: {  	_ =	swait.ge @!p0 [sflag:s0], s1  }
0x172: {  	s1 =	ssub.s32 @!p0 $0x0, s1;
	[sflag:s0] =	ssyncset.done @!p0 $0x0  }
0x173: {  	[sflag:s0] =	ssyncadd.s32 @!p0 s1  }
0x174: {  	[bflag:$0x3] =	sbarrier.arrive $0xFFFF  }
0x175: {  	_ =	shalt  }

</sc_bundles>
